<compile_context>
chip_gen: v7x
topology: tpu7x:2x2x1
jax: 0.10.2.dev20260603
libtpu: 0.0.44.dev20260713+nightly
codegen_flags: <defaults>
</compile_context>

<pallas_src>
import jax
import jax.numpy as jnp
from jax import lax
from jax.experimental import pallas as pl
from jax.experimental.pallas import tpu as pltpu
from jax.experimental.pallas import tpu_sc as plsc

B = 1024
V = 100000
NCAND = 8192
NNEG = 200
NC, NS = 2, 16
NW = NC * NS
RPW = B // NW
EPW = RPW * NNEG
CHUNK = 128
NCH = EPW // CHUNK
NFULL = NNEG // 16
TAIL = NNEG - 16


def _sc_body(scores_hbm, obj_hbm, cand_hbm, idx1_hbm, off_hbm,
             a_out, s_out,
             idx_v, neg_v, off_v, scores_v, obj_v, gtidx_v, gt_v,
             a_v, s_v, sem, sem2):
    w = lax.axis_index("s") * NC + lax.axis_index("c")
    rbase = w * RPW
    ebase = w * EPW

    pltpu.sync_copy(idx1_hbm.at[pl.ds(ebase, EPW)], idx_v)
    pltpu.sync_copy(off_hbm.at[pl.ds(ebase, EPW)], off_v)
    pltpu.sync_copy(obj_hbm.at[pl.ds(rbase, RPW)], obj_v)

    def fire_cand(j, c):
        sl = pl.ds(j * CHUNK, CHUNK)
        pltpu.async_copy(cand_hbm.at[idx_v.at[sl]], neg_v.at[sl], sem)
        return c
    lax.fori_loop(0, NCH, fire_cand, 0)
    pltpu.make_async_copy(cand_hbm.at[pl.ds(0, EPW)], neg_v, sem).wait()

    def add_off(j, c):
        for k in range(CHUNK // 16):
            sl = pl.ds(j * CHUNK + k * 16, 16)
            idx_v[sl] = neg_v[sl] + off_v[sl]
        return c
    lax.fori_loop(0, NCH, add_off, 0)

    iota16 = lax.iota(jnp.int32, 16)
    for g in range(RPW // 16):
        sl = pl.ds(g * 16, 16)
        gtidx_v[sl] = obj_v[sl] + (iota16 + (rbase + g * 16)) * V
    pltpu.async_copy(scores_hbm.at[gtidx_v], gt_v, sem2)

    def fire_sc(j, c):
        sl = pl.ds(j * CHUNK, CHUNK)
        pltpu.async_copy(scores_hbm.at[idx_v.at[sl]], scores_v.at[sl], sem)
        return c
    lax.fori_loop(0, NCH, fire_sc, 0)
    pltpu.make_async_copy(scores_hbm.at[pl.ds(0, EPW)], scores_v, sem).wait()
    pltpu.make_async_copy(scores_hbm.at[pl.ds(0, RPW)], gt_v, sem2).wait()

    def max_body(k, carry):
        m0, m1 = carry
        x0 = scores_v[pl.ds(k * RPW, 16)]
        x1 = scores_v[pl.ds(k * RPW + 16, 16)]
        return (jnp.maximum(m0, x0), jnp.maximum(m1, x1))
    ninf = jnp.full((16,), -jnp.inf, jnp.float32)
    m0, m1 = lax.fori_loop(0, NNEG, max_body, (ninf, ninf))

    def sum_body(k, carry):
        s0, s1 = carry
        x0 = scores_v[pl.ds(k * RPW, 16)]
        x1 = scores_v[pl.ds(k * RPW + 16, 16)]
        return (s0 + jnp.exp(x0 - m0), s1 + jnp.exp(x1 - m1))
    zero = jnp.zeros((16,), jnp.float32)
    s0, s1 = lax.fori_loop(0, NNEG, sum_body, (zero, zero))

    a_v[pl.ds(0, 16)] = m0 - gt_v[pl.ds(0, 16)]
    a_v[pl.ds(16, 16)] = m1 - gt_v[pl.ds(16, 16)]
    s_v[pl.ds(0, 16)] = s0
    s_v[pl.ds(16, 16)] = s1

    pltpu.sync_copy(a_v, a_out.at[pl.ds(rbase, RPW)])
    pltpu.sync_copy(s_v, s_out.at[pl.ds(rbase, RPW)])


_sc_kernel = pl.kernel(
    _sc_body,
    out_type=(jax.ShapeDtypeStruct((B,), jnp.float32),
              jax.ShapeDtypeStruct((B,), jnp.float32)),
    mesh=plsc.VectorSubcoreMesh(core_axis_name="c", subcore_axis_name="s"),
    scratch_types=[
        pltpu.VMEM((EPW,), jnp.int32),
        pltpu.VMEM((EPW,), jnp.int32),
        pltpu.VMEM((EPW,), jnp.int32),
        pltpu.VMEM((EPW,), jnp.float32),
        pltpu.VMEM((RPW,), jnp.int32),
        pltpu.VMEM((RPW,), jnp.int32),
        pltpu.VMEM((RPW,), jnp.float32),
        pltpu.VMEM((RPW,), jnp.float32),
        pltpu.VMEM((RPW,), jnp.float32),
        pltpu.SemaphoreType.DMA,
        pltpu.SemaphoreType.DMA,
    ],
)


def _finish_body(a_ref, s_ref, o_ref):
    o_ref[0, 0] = jnp.mean(a_ref[...] + jnp.log(s_ref[...]))


_finish = pl.pallas_call(
    _finish_body,
    out_shape=jax.ShapeDtypeStruct((1, 1), jnp.float32),
    out_specs=pl.BlockSpec(memory_space=pltpu.SMEM),
)


@jax.jit
def kernel(object_scores, objects, candidates):
    nsi = jax.random.randint(jax.random.key(42), (B * NNEG,), 0, NCAND)
    rows = jnp.arange(B * NNEG, dtype=jnp.int32) // NNEG
    cand_idx = (nsi.astype(jnp.int32) + rows * NCAND)
    row_off = rows * V

    def to_kmajor(a):
        return a.reshape(NW, RPW, NNEG).transpose(0, 2, 1).reshape(-1)
    cand_idx = to_kmajor(cand_idx)
    row_off = to_kmajor(row_off)

    scores_flat = object_scores.reshape(-1)
    cand_flat = candidates.astype(jnp.int32).reshape(-1)
    obj = objects.astype(jnp.int32)

    a, s = _sc_kernel(scores_flat, obj, cand_flat, cand_idx, row_off)
    out = _finish(a.reshape(8, 128), s.reshape(8, 128))
    return out[0, 0]

# --- scband reference (transcript-rebuilt; emitter-appended) ---
"""Pipeline reference for scband-log-sum-exp-loss-with-neg-sampling-10849087390277 (READ-ONLY COPY).

The authoritative reference and input builder live on the scoring server;
editing this copy changes nothing except your own understanding.
"""

import jax, jax.numpy as jnp
import numpy as np

NUM_NEG_SAMPLES = 200


def setup_inputs(seed: int = 0) -> dict:
    key = jax.random.key(seed)
    k1, k2, k3 = jax.random.split(key, 3)
    object_scores = jax.random.normal(k1, (1024, 100000), dtype=jnp.float32)
    objects = jax.random.randint(k2, (1024,), 0, 100000, dtype=jnp.int64)
    candidates = jax.random.randint(k3, (1024, 8192), 0, 100000, dtype=jnp.int64)
    return {"object_scores": object_scores, "objects": objects, "candidates": candidates}


def reference(object_scores, objects, candidates):
    batch_size = object_scores.shape[0]
    num_candidates = candidates.shape[1]
    # negative sampling (fixed key stands in for np.random.randint in the torch code)
    neg_key = jax.random.key(42)
    negative_sample_idxs = jax.random.randint(
        neg_key, (batch_size, NUM_NEG_SAMPLES), 0, num_candidates)
    negative_samples = jnp.take_along_axis(candidates, negative_sample_idxs, axis=1)
    ground_truth_scores = jnp.take_along_axis(object_scores, objects[:, None], axis=1)
    negative_sample_scores = jnp.take_along_axis(object_scores, negative_samples, axis=1)
    loss = ground_truth_scores[:, 0] - jax.scipy.special.logsumexp(negative_sample_scores, axis=-1)
    return -jnp.mean(loss)

if __name__ == "__main__":
    import jax
    _d = setup_inputs()
    print(jax.jit(kernel)(*tuple(_d.values())))

</pallas_src>

<mosaic_0001>
#map = affine_map<(d0, d1) -> (0)>
module attributes {stable_mosaic.version = 14 : i64} {
  func.func @_sc_body(%arg0: i32, %arg1: i32, %arg2: memref<102400000xf32, #tpu.memory_space<hbm>>, %arg3: memref<1024xi32, #tpu.memory_space<hbm>>, %arg4: memref<8388608xi32, #tpu.memory_space<hbm>>, %arg5: memref<204800xi32, #tpu.memory_space<hbm>>, %arg6: memref<204800xi32, #tpu.memory_space<hbm>>, %arg7: memref<1024xf32, #tpu.memory_space<hbm>>, %arg8: memref<1024xf32, #tpu.memory_space<hbm>>, %arg9: memref<6400xi32, #tpu.memory_space<vmem>>, %arg10: memref<6400xi32, #tpu.memory_space<vmem>>, %arg11: memref<6400xi32, #tpu.memory_space<vmem>>, %arg12: memref<6400xf32, #tpu.memory_space<vmem>>, %arg13: memref<32xi32, #tpu.memory_space<vmem>>, %arg14: memref<32xi32, #tpu.memory_space<vmem>>, %arg15: memref<32xf32, #tpu.memory_space<vmem>>, %arg16: memref<32xf32, #tpu.memory_space<vmem>>, %arg17: memref<32xf32, #tpu.memory_space<vmem>>, %arg18: memref<!tpu.dma_semaphore, #tpu.memory_space<semaphore_mem>>, %arg19: memref<!tpu.dma_semaphore, #tpu.memory_space<semaphore_mem>>) attributes {dimension_semantics = [#tpu.dimension_semantics<core_parallel>, #tpu.dimension_semantics<subcore_parallel>], iteration_bounds = array<i64: 2, 16>, scalar_prefetch = 0 : i64, scratch_operands = 11 : i64, tpu.core_type = #tpu.core_type<sc_vector_subcore>, window_params = [{transform_indices = #map}, {transform_indices = #map}, {transform_indices = #map}, {transform_indices = #map}, {transform_indices = #map}, {transform_indices = #map}, {transform_indices = #map}]} {
    %mul3A = arith.constant 2 : i32
    %mul3A_0 = arith.muli %arg1, %mul3A : i32
    %add3A = arith.addi %mul3A_0, %arg0 : i32
    %mul3A_1 = arith.constant 32 : i32
    %mul3A_2 = arith.muli %add3A, %mul3A_1 : i32
    %mul3A_3 = arith.constant 6400 : i32
    %mul3A_4 = arith.muli %add3A, %mul3A_3 : i32
    "tpu.region"() ({
      %run_scoped3A = tpu.sem_alloc : memref<!tpu.dma_semaphore, #tpu.memory_space<semaphore_mem>>
      %dma_start3A_100 = tpu.memref_slice %arg5[%mul3A_4] : memref<204800xi32, #tpu.memory_space<hbm>> -> memref<6400xi32, #tpu.memory_space<hbm>>
      %dma_start3A_101 = tpu.memref_slice %arg5[%mul3A_4] : memref<204800xi32, #tpu.memory_space<hbm>> -> memref<6400xi32, #tpu.memory_space<hbm>>
      tpu.enqueue_dma source(%dma_start3A_101 : memref<6400xi32, #tpu.memory_space<hbm>>) target(%arg9 : memref<6400xi32, #tpu.memory_space<vmem>>) target_semaphore(%run_scoped3A : memref<!tpu.dma_semaphore, #tpu.memory_space<semaphore_mem>>)
      %dma_wait3A_102 = tpu.memref_slice %arg5[%mul3A_4] : memref<204800xi32, #tpu.memory_space<hbm>> -> memref<6400xi32, #tpu.memory_space<hbm>>
      %dma_wait3A_103 = tpu.memref_slice %arg5[%mul3A_4] : memref<204800xi32, #tpu.memory_space<hbm>> -> memref<6400xi32, #tpu.memory_space<hbm>>
      tpu.wait_dma2 semaphore(%run_scoped3A : memref<!tpu.dma_semaphore, #tpu.memory_space<semaphore_mem>>) src(%dma_wait3A_103 : memref<6400xi32, #tpu.memory_space<hbm>>) dst(%arg9 : memref<6400xi32, #tpu.memory_space<vmem>>)
      tpu.yield
    }) : () -> ()
    "tpu.region"() ({
      %run_scoped3A = tpu.sem_alloc : memref<!tpu.dma_semaphore, #tpu.memory_space<semaphore_mem>>
      %dma_start3A_100 = tpu.memref_slice %arg6[%mul3A_4] : memref<204800xi32, #tpu.memory_space<hbm>> -> memref<6400xi32, #tpu.memory_space<hbm>>
      %dma_start3A_101 = tpu.memref_slice %arg6[%mul3A_4] : memref<204800xi32, #tpu.memory_space<hbm>> -> memref<6400xi32, #tpu.memory_space<hbm>>
      tpu.enqueue_dma source(%dma_start3A_101 : memref<6400xi32, #tpu.memory_space<hbm>>) target(%arg11 : memref<6400xi32, #tpu.memory_space<vmem>>) target_semaphore(%run_scoped3A : memref<!tpu.dma_semaphore, #tpu.memory_space<semaphore_mem>>)
      %dma_wait3A_102 = tpu.memref_slice %arg6[%mul3A_4] : memref<204800xi32, #tpu.memory_space<hbm>> -> memref<6400xi32, #tpu.memory_space<hbm>>
      %dma_wait3A_103 = tpu.memref_slice %arg6[%mul3A_4] : memref<204800xi32, #tpu.memory_space<hbm>> -> memref<6400xi32, #tpu.memory_space<hbm>>
      tpu.wait_dma2 semaphore(%run_scoped3A : memref<!tpu.dma_semaphore, #tpu.memory_space<semaphore_mem>>) src(%dma_wait3A_103 : memref<6400xi32, #tpu.memory_space<hbm>>) dst(%arg11 : memref<6400xi32, #tpu.memory_space<vmem>>)
      tpu.yield
    }) : () -> ()
    "tpu.region"() ({
      %run_scoped3A = tpu.sem_alloc : memref<!tpu.dma_semaphore, #tpu.memory_space<semaphore_mem>>
      %dma_start3A_100 = tpu.memref_slice %arg3[%mul3A_2] : memref<1024xi32, #tpu.memory_space<hbm>> -> memref<32xi32, #tpu.memory_space<hbm>>
      %dma_start3A_101 = tpu.memref_slice %arg3[%mul3A_2] : memref<1024xi32, #tpu.memory_space<hbm>> -> memref<32xi32, #tpu.memory_space<hbm>>
      tpu.enqueue_dma source(%dma_start3A_101 : memref<32xi32, #tpu.memory_space<hbm>>) target(%arg13 : memref<32xi32, #tpu.memory_space<vmem>>) target_semaphore(%run_scoped3A : memref<!tpu.dma_semaphore, #tpu.memory_space<semaphore_mem>>)
      %dma_wait3A_102 = tpu.memref_slice %arg3[%mul3A_2] : memref<1024xi32, #tpu.memory_space<hbm>> -> memref<32xi32, #tpu.memory_space<hbm>>
      %dma_wait3A_103 = tpu.memref_slice %arg3[%mul3A_2] : memref<1024xi32, #tpu.memory_space<hbm>> -> memref<32xi32, #tpu.memory_space<hbm>>
      tpu.wait_dma2 semaphore(%run_scoped3A : memref<!tpu.dma_semaphore, #tpu.memory_space<semaphore_mem>>) src(%dma_wait3A_103 : memref<32xi32, #tpu.memory_space<hbm>>) dst(%arg13 : memref<32xi32, #tpu.memory_space<vmem>>)
      tpu.yield
    }) : () -> ()
    %scan3A = arith.constant 0 : i32
    %scan3A_5 = arith.constant 0 : i32
    %scan3A_6 = arith.constant 50 : i32
    %scan3A_7 = arith.addi %scan3A_5, %scan3A_6 : i32
    %scan3A_8 = arith.constant 1 : i32
    scf.for %scan3A_100 = %scan3A_5 to %scan3A_7 step %scan3A_8  : i32 {
      %mul3A_101 = arith.constant 128 : i32
      %mul3A_102 = arith.muli %scan3A_100, %mul3A_101 : i32
      %dma_start3A_103 = tpu.memref_slice %arg10[%mul3A_102] : memref<6400xi32, #tpu.memory_space<vmem>> -> memref<128xi32, #tpu.memory_space<vmem>>
      %dma_start3A_104 = tpu.memref_slice %arg9[%mul3A_102] : memref<6400xi32, #tpu.memory_space<vmem>> -> memref<128xi32, #tpu.memory_space<vmem>>
      %dma_start3A_105 = arith.constant 0 : i32
      %dma_start3A_106 = tpu.memref_slice %arg4[%dma_start3A_105] : memref<8388608xi32, #tpu.memory_space<hbm>> -> memref<8388608xi32, #tpu.memory_space<hbm>>
      tpu.enqueue_indirect_dma source(%dma_start3A_106 : memref<8388608xi32, #tpu.memory_space<hbm>>) target(%dma_start3A_103 : memref<128xi32, #tpu.memory_space<vmem>>) offsets(%dma_start3A_104 : memref<128xi32, #tpu.memory_space<vmem>>) semaphore(%arg18 : memref<!tpu.dma_semaphore, #tpu.memory_space<semaphore_mem>>)
    }
    %scan3A_9 = arith.constant 50 : i32
    %dma_wait3A = arith.constant 0 : i32
    %dma_wait3A_10 = tpu.memref_slice %arg4[%dma_wait3A] : memref<8388608xi32, #tpu.memory_space<hbm>> -> memref<6400xi32, #tpu.memory_space<hbm>>
    %dma_wait3A_11 = arith.constant 0 : i32
    %dma_wait3A_12 = tpu.memref_slice %arg4[%dma_wait3A_11] : memref<8388608xi32, #tpu.memory_space<hbm>> -> memref<6400xi32, #tpu.memory_space<hbm>>
    tpu.wait_dma2 semaphore(%arg18 : memref<!tpu.dma_semaphore, #tpu.memory_space<semaphore_mem>>) src(%dma_wait3A_12 : memref<6400xi32, #tpu.memory_space<hbm>>) dst(%arg10 : memref<6400xi32, #tpu.memory_space<vmem>>)
    %scan3A_13 = arith.constant 0 : i32
    %scan3A_14 = arith.constant 0 : i32
    %scan3A_15 = arith.constant 50 : i32
    %scan3A_16 = arith.addi %scan3A_14, %scan3A_15 : i32
    %scan3A_17 = arith.constant 1 : i32
    scf.for %scan3A_100 = %scan3A_14 to %scan3A_16 step %scan3A_17  : i32 {
      %mul3A_101 = arith.constant 128 : i32
      %mul3A_102 = arith.muli %scan3A_100, %mul3A_101 : i32
      %add3A_103 = arith.constant 0 : i32
      %add3A_104 = arith.addi %mul3A_102, %add3A_103 : i32
      %get3A_105 = arith.index_cast %add3A_104 : i32 to index
      %get3A_106 = tpu.vector_load %arg10[%get3A_105] {strides = array<i32>} : memref<6400xi32, #tpu.memory_space<vmem>>, vector<16xi32>,
      %get3A_107 = vector.shape_cast %get3A_106 : vector<16xi32> to vector<16xi32>
      %get3A_108 = arith.index_cast %add3A_104 : i32 to index
      %get3A_109 = tpu.vector_load %arg11[%get3A_108] {strides = array<i32>} : memref<6400xi32, #tpu.memory_space<vmem>>, vector<16xi32>,
      %get3A_110 = vector.shape_cast %get3A_109 : vector<16xi32> to vector<16xi32>
      %add3A_111 = arith.addi %get3A_107, %get3A_110 : vector<16xi32>
      %swap3A_112 = arith.index_cast %add3A_104 : i32 to index
      %swap3A_113 = tpu.vector_load %arg9[%swap3A_112] {strides = array<i32>} : memref<6400xi32, #tpu.memory_space<vmem>>, vector<16xi32>,
      %swap3A_114 = vector.shape_cast %swap3A_113 : vector<16xi32> to vector<16xi32>
      %swap3A_115 = vector.shape_cast %add3A_111 : vector<16xi32> to vector<16xi32>
      tpu.vector_store %arg9[%swap3A_112], %swap3A_115 {strides = array<i32>} : memref<6400xi32, #tpu.memory_space<vmem>>, vector<16xi32>,
      %mul3A_116 = arith.constant 128 : i32
      %mul3A_117 = arith.muli %scan3A_100, %mul3A_116 : i32
      %add3A_118 = arith.constant 16 : i32
      %add3A_119 = arith.addi %mul3A_117, %add3A_118 : i32
      %get3A_120 = arith.index_cast %add3A_119 : i32 to index
      %get3A_121 = tpu.vector_load %arg10[%get3A_120] {strides = array<i32>} : memref<6400xi32, #tpu.memory_space<vmem>>, vector<16xi32>,
      %get3A_122 = vector.shape_cast %get3A_121 : vector<16xi32> to vector<16xi32>
      %get3A_123 = arith.index_cast %add3A_119 : i32 to index
      %get3A_124 = tpu.vector_load %arg11[%get3A_123] {strides = array<i32>} : memref<6400xi32, #tpu.memory_space<vmem>>, vector<16xi32>,
      %get3A_125 = vector.shape_cast %get3A_124 : vector<16xi32> to vector<16xi32>
      %add3A_126 = arith.addi %get3A_122, %get3A_125 : vector<16xi32>
      %swap3A_127 = arith.index_cast %add3A_119 : i32 to index
      %swap3A_128 = tpu.vector_load %arg9[%swap3A_127] {strides = array<i32>} : memref<6400xi32, #tpu.memory_space<vmem>>, vector<16xi32>,
      %swap3A_129 = vector.shape_cast %swap3A_128 : vector<16xi32> to vector<16xi32>
      %swap3A_130 = vector.shape_cast %add3A_126 : vector<16xi32> to vector<16xi32>
      tpu.vector_store %arg9[%swap3A_127], %swap3A_130 {strides = array<i32>} : memref<6400xi32, #tpu.memory_space<vmem>>, vector<16xi32>,
      %mul3A_131 = arith.constant 128 : i32
      %mul3A_132 = arith.muli %scan3A_100, %mul3A_131 : i32
      %add3A_133 = arith.constant 32 : i32
      %add3A_134 = arith.addi %mul3A_132, %add3A_133 : i32
      %get3A_135 = arith.index_cast %add3A_134 : i32 to index
      %get3A_136 = tpu.vector_load %arg10[%get3A_135] {strides = array<i32>} : memref<6400xi32, #tpu.memory_space<vmem>>, vector<16xi32>,
      %get3A_137 = vector.shape_cast %get3A_136 : vector<16xi32> to vector<16xi32>
      %get3A_138 = arith.index_cast %add3A_134 : i32 to index
      %get3A_139 = tpu.vector_load %arg11[%get3A_138] {strides = array<i32>} : memref<6400xi32, #tpu.memory_space<vmem>>, vector<16xi32>,
      %get3A_140 = vector.shape_cast %get3A_139 : vector<16xi32> to vector<16xi32>
      %add3A_141 = arith.addi %get3A_137, %get3A_140 : vector<16xi32>
      %swap3A_142 = arith.index_cast %add3A_134 : i32 to index
      %swap3A_143 = tpu.vector_load %arg9[%swap3A_142] {strides = array<i32>} : memref<6400xi32, #tpu.memory_space<vmem>>, vector<16xi32>,
      %swap3A_144 = vector.shape_cast %swap3A_143 : vector<16xi32> to vector<16xi32>
      %swap3A_145 = vector.shape_cast %add3A_141 : vector<16xi32> to vector<16xi32>
      tpu.vector_store %arg9[%swap3A_142], %swap3A_145 {strides = array<i32>} : memref<6400xi32, #tpu.memory_space<vmem>>, vector<16xi32>,
      %mul3A_146 = arith.constant 128 : i32
      %mul3A_147 = arith.muli %scan3A_100, %mul3A_146 : i32
      %add3A_148 = arith.constant 48 : i32
      %add3A_149 = arith.addi %mul3A_147, %add3A_148 : i32
      %get3A_150 = arith.index_cast %add3A_149 : i32 to index
      %get3A_151 = tpu.vector_load %arg10[%get3A_150] {strides = array<i32>} : memref<6400xi32, #tpu.memory_space<vmem>>, vector<16xi32>,
      %get3A_152 = vector.shape_cast %get3A_151 : vector<16xi32> to vector<16xi32>
      %get3A_153 = arith.index_cast %add3A_149 : i32 to index
      %get3A_154 = tpu.vector_load %arg11[%get3A_153] {strides = array<i32>} : memref<6400xi32, #tpu.memory_space<vmem>>, vector<16xi32>,
      %get3A_155 = vector.shape_cast %get3A_154 : vector<16xi32> to vector<16xi32>
      %add3A_156 = arith.addi %get3A_152, %get3A_155 : vector<16xi32>
      %swap3A_157 = arith.index_cast %add3A_149 : i32 to index
      %swap3A_158 = tpu.vector_load %arg9[%swap3A_157] {strides = array<i32>} : memref<6400xi32, #tpu.memory_space<vmem>>, vector<16xi32>,
      %swap3A_159 = vector.shape_cast %swap3A_158 : vector<16xi32> to vector<16xi32>
      %swap3A_160 = vector.shape_cast %add3A_156 : vector<16xi32> to vector<16xi32>
      tpu.vector_store %arg9[%swap3A_157], %swap3A_160 {strides = array<i32>} : memref<6400xi32, #tpu.memory_space<vmem>>, vector<16xi32>,
      %mul3A_161 = arith.constant 128 : i32
      %mul3A_162 = arith.muli %scan3A_100, %mul3A_161 : i32
      %add3A_163 = arith.constant 64 : i32
      %add3A_164 = arith.addi %mul3A_162, %add3A_163 : i32
      %get3A_165 = arith.index_cast %add3A_164 : i32 to index
      %get3A_166 = tpu.vector_load %arg10[%get3A_165] {strides = array<i32>} : memref<6400xi32, #tpu.memory_space<vmem>>, vector<16xi32>,
      %get3A_167 = vector.shape_cast %get3A_166 : vector<16xi32> to vector<16xi32>
      %get3A_168 = arith.index_cast %add3A_164 : i32 to index
      %get3A_169 = tpu.vector_load %arg11[%get3A_168] {strides = array<i32>} : memref<6400xi32, #tpu.memory_space<vmem>>, vector<16xi32>,
      %get3A_170 = vector.shape_cast %get3A_169 : vector<16xi32> to vector<16xi32>
      %add3A_171 = arith.addi %get3A_167, %get3A_170 : vector<16xi32>
      %swap3A_172 = arith.index_cast %add3A_164 : i32 to index
      %swap3A_173 = tpu.vector_load %arg9[%swap3A_172] {strides = array<i32>} : memref<6400xi32, #tpu.memory_space<vmem>>, vector<16xi32>,
      %swap3A_174 = vector.shape_cast %swap3A_173 : vector<16xi32> to vector<16xi32>
      %swap3A_175 = vector.shape_cast %add3A_171 : vector<16xi32> to vector<16xi32>
      tpu.vector_store %arg9[%swap3A_172], %swap3A_175 {strides = array<i32>} : memref<6400xi32, #tpu.memory_space<vmem>>, vector<16xi32>,
      %mul3A_176 = arith.constant 128 : i32
      %mul3A_177 = arith.muli %scan3A_100, %mul3A_176 : i32
      %add3A_178 = arith.constant 80 : i32
      %add3A_179 = arith.addi %mul3A_177, %add3A_178 : i32
      %get3A_180 = arith.index_cast %add3A_179 : i32 to index
      %get3A_181 = tpu.vector_load %arg10[%get3A_180] {strides = array<i32>} : memref<6400xi32, #tpu.memory_space<vmem>>, vector<16xi32>,
      %get3A_182 = vector.shape_cast %get3A_181 : vector<16xi32> to vector<16xi32>
      %get3A_183 = arith.index_cast %add3A_179 : i32 to index
      %get3A_184 = tpu.vector_load %arg11[%get3A_183] {strides = array<i32>} : memref<6400xi32, #tpu.memory_space<vmem>>, vector<16xi32>,
      %get3A_185 = vector.shape_cast %get3A_184 : vector<16xi32> to vector<16xi32>
      %add3A_186 = arith.addi %get3A_182, %get3A_185 : vector<16xi32>
      %swap3A_187 = arith.index_cast %add3A_179 : i32 to index
      %swap3A_188 = tpu.vector_load %arg9[%swap3A_187] {strides = array<i32>} : memref<6400xi32, #tpu.memory_space<vmem>>, vector<16xi32>,
      %swap3A_189 = vector.shape_cast %swap3A_188 : vector<16xi32> to vector<16xi32>
      %swap3A_190 = vector.shape_cast %add3A_186 : vector<16xi32> to vector<16xi32>
      tpu.vector_store %arg9[%swap3A_187], %swap3A_190 {strides = array<i32>} : memref<6400xi32, #tpu.memory_space<vmem>>, vector<16xi32>,
      %mul3A_191 = arith.constant 128 : i32
      %mul3A_192 = arith.muli %scan3A_100, %mul3A_191 : i32
      %add3A_193 = arith.constant 96 : i32
      %add3A_194 = arith.addi %mul3A_192, %add3A_193 : i32
      %get3A_195 = arith.index_cast %add3A_194 : i32 to index
      %get3A_196 = tpu.vector_load %arg10[%get3A_195] {strides = array<i32>} : memref<6400xi32, #tpu.memory_space<vmem>>, vector<16xi32>,
      %get3A_197 = vector.shape_cast %get3A_196 : vector<16xi32> to vector<16xi32>
      %get3A_198 = arith.index_cast %add3A_194 : i32 to index
      %get3A_199 = tpu.vector_load %arg11[%get3A_198] {strides = array<i32>} : memref<6400xi32, #tpu.memory_space<vmem>>, vector<16xi32>,
      %get3A_200 = vector.shape_cast %get3A_199 : vector<16xi32> to vector<16xi32>
      %add3A_201 = arith.addi %get3A_197, %get3A_200 : vector<16xi32>
      %swap3A_202 = arith.index_cast %add3A_194 : i32 to index
      %swap3A_203 = tpu.vector_load %arg9[%swap3A_202] {strides = array<i32>} : memref<6400xi32, #tpu.memory_space<vmem>>, vector<16xi32>,
      %swap3A_204 = vector.shape_cast %swap3A_203 : vector<16xi32> to vector<16xi32>
      %swap3A_205 = vector.shape_cast %add3A_201 : vector<16xi32> to vector<16xi32>
      tpu.vector_store %arg9[%swap3A_202], %swap3A_205 {strides = array<i32>} : memref<6400xi32, #tpu.memory_space<vmem>>, vector<16xi32>,
      %mul3A_206 = arith.constant 128 : i32
      %mul3A_207 = arith.muli %scan3A_100, %mul3A_206 : i32
      %add3A_208 = arith.constant 112 : i32
      %add3A_209 = arith.addi %mul3A_207, %add3A_208 : i32
      %get3A_210 = arith.index_cast %add3A_209 : i32 to index
      %get3A_211 = tpu.vector_load %arg10[%get3A_210] {strides = array<i32>} : memref<6400xi32, #tpu.memory_space<vmem>>, vector<16xi32>,
      %get3A_212 = vector.shape_cast %get3A_211 : vector<16xi32> to vector<16xi32>
      %get3A_213 = arith.index_cast %add3A_209 : i32 to index
      %get3A_214 = tpu.vector_load %arg11[%get3A_213] {strides = array<i32>} : memref<6400xi32, #tpu.memory_space<vmem>>, vector<16xi32>,
      %get3A_215 = vector.shape_cast %get3A_214 : vector<16xi32> to vector<16xi32>
      %add3A_216 = arith.addi %get3A_212, %get3A_215 : vector<16xi32>
      %swap3A_217 = arith.index_cast %add3A_209 : i32 to index
      %swap3A_218 = tpu.vector_load %arg9[%swap3A_217] {strides = array<i32>} : memref<6400xi32, #tpu.memory_space<vmem>>, vector<16xi32>,
      %swap3A_219 = vector.shape_cast %swap3A_218 : vector<16xi32> to vector<16xi32>
      %swap3A_220 = vector.shape_cast %add3A_216 : vector<16xi32> to vector<16xi32>
      tpu.vector_store %arg9[%swap3A_217], %swap3A_220 {strides = array<i32>} : memref<6400xi32, #tpu.memory_space<vmem>>, vector<16xi32>,
    }
    %scan3A_18 = arith.constant 50 : i32
    %iota3A = tpu.iota {dimensions = array<i32: 0>} : vector<16xi32>
    %get3A = arith.constant 0 : index
    %get3A_19 = tpu.vector_load %arg13[%get3A] {strides = array<i32>} : memref<32xi32, #tpu.memory_space<vmem>>, vector<16xi32>,
    %get3A_20 = vector.shape_cast %get3A_19 : vector<16xi32> to vector<16xi32>
    %add3A_21 = arith.constant 0 : i32
    %add3A_22 = arith.addi %mul3A_2, %add3A_21 : i32
    %add3A_23 = vector.broadcast %add3A_22 : i32 to vector<16xi32>
    %add3A_24 = arith.addi %iota3A, %add3A_23 : vector<16xi32>
    %mul3A_25 = arith.constant 100000 : i32
    %mul3A_26 = vector.broadcast %mul3A_25 : i32 to vector<16xi32>
    %mul3A_27 = arith.muli %add3A_24, %mul3A_26 : vector<16xi32>
    %add3A_28 = arith.addi %get3A_20, %mul3A_27 : vector<16xi32>
    %swap3A = arith.constant 0 : index
    %swap3A_29 = tpu.vector_load %arg14[%swap3A] {strides = array<i32>} : memref<32xi32, #tpu.memory_space<vmem>>, vector<16xi32>,
    %swap3A_30 = vector.shape_cast %swap3A_29 : vector<16xi32> to vector<16xi32>
    %swap3A_31 = vector.shape_cast %add3A_28 : vector<16xi32> to vector<16xi32>
    tpu.vector_store %arg14[%swap3A], %swap3A_31 {strides = array<i32>} : memref<32xi32, #tpu.memory_space<vmem>>, vector<16xi32>,
    %get3A_32 = arith.constant 16 : index
    %get3A_33 = tpu.vector_load %arg13[%get3A_32] {strides = array<i32>} : memref<32xi32, #tpu.memory_space<vmem>>, vector<16xi32>,
    %get3A_34 = vector.shape_cast %get3A_33 : vector<16xi32> to vector<16xi32>
    %add3A_35 = arith.constant 16 : i32
    %add3A_36 = arith.addi %mul3A_2, %add3A_35 : i32
    %add3A_37 = vector.broadcast %add3A_36 : i32 to vector<16xi32>
    %add3A_38 = arith.addi %iota3A, %add3A_37 : vector<16xi32>
    %mul3A_39 = arith.constant 100000 : i32
    %mul3A_40 = vector.broadcast %mul3A_39 : i32 to vector<16xi32>
    %mul3A_41 = arith.muli %add3A_38, %mul3A_40 : vector<16xi32>
    %add3A_42 = arith.addi %get3A_34, %mul3A_41 : vector<16xi32>
    %swap3A_43 = arith.constant 16 : index
    %swap3A_44 = tpu.vector_load %arg14[%swap3A_43] {strides = array<i32>} : memref<32xi32, #tpu.memory_space<vmem>>, vector<16xi32>,
    %swap3A_45 = vector.shape_cast %swap3A_44 : vector<16xi32> to vector<16xi32>
    %swap3A_46 = vector.shape_cast %add3A_42 : vector<16xi32> to vector<16xi32>
    tpu.vector_store %arg14[%swap3A_43], %swap3A_46 {strides = array<i32>} : memref<32xi32, #tpu.memory_space<vmem>>, vector<16xi32>,
    %dma_start3A = arith.constant 0 : i32
    %dma_start3A_47 = tpu.memref_slice %arg2[%dma_start3A] : memref<102400000xf32, #tpu.memory_space<hbm>> -> memref<102400000xf32, #tpu.memory_space<hbm>>
    tpu.enqueue_indirect_dma source(%dma_start3A_47 : memref<102400000xf32, #tpu.memory_space<hbm>>) target(%arg15 : memref<32xf32, #tpu.memory_space<vmem>>) offsets(%arg14 : memref<32xi32, #tpu.memory_space<vmem>>) semaphore(%arg19 : memref<!tpu.dma_semaphore, #tpu.memory_space<semaphore_mem>>)
    %scan3A_48 = arith.constant 0 : i32
    %scan3A_49 = arith.constant 0 : i32
    %scan3A_50 = arith.constant 50 : i32
    %scan3A_51 = arith.addi %scan3A_49, %scan3A_50 : i32
    %scan3A_52 = arith.constant 1 : i32
    scf.for %scan3A_100 = %scan3A_49 to %scan3A_51 step %scan3A_52  : i32 {
      %mul3A_101 = arith.constant 128 : i32
      %mul3A_102 = arith.muli %scan3A_100, %mul3A_101 : i32
      %dma_start3A_103 = tpu.memref_slice %arg12[%mul3A_102] : memref<6400xf32, #tpu.memory_space<vmem>> -> memref<128xf32, #tpu.memory_space<vmem>>
      %dma_start3A_104 = tpu.memref_slice %arg9[%mul3A_102] : memref<6400xi32, #tpu.memory_space<vmem>> -> memref<128xi32, #tpu.memory_space<vmem>>
      %dma_start3A_105 = arith.constant 0 : i32
      %dma_start3A_106 = tpu.memref_slice %arg2[%dma_start3A_105] : memref<102400000xf32, #tpu.memory_space<hbm>> -> memref<102400000xf32, #tpu.memory_space<hbm>>
      tpu.enqueue_indirect_dma source(%dma_start3A_106 : memref<102400000xf32, #tpu.memory_space<hbm>>) target(%dma_start3A_103 : memref<128xf32, #tpu.memory_space<vmem>>) offsets(%dma_start3A_104 : memref<128xi32, #tpu.memory_space<vmem>>) semaphore(%arg18 : memref<!tpu.dma_semaphore, #tpu.memory_space<semaphore_mem>>)
    }
    %scan3A_53 = arith.constant 50 : i32
    %dma_wait3A_54 = arith.constant 0 : i32
    %dma_wait3A_55 = tpu.memref_slice %arg2[%dma_wait3A_54] : memref<102400000xf32, #tpu.memory_space<hbm>> -> memref<6400xf32, #tpu.memory_space<hbm>>
    %dma_wait3A_56 = arith.constant 0 : i32
    %dma_wait3A_57 = tpu.memref_slice %arg2[%dma_wait3A_56] : memref<102400000xf32, #tpu.memory_space<hbm>> -> memref<6400xf32, #tpu.memory_space<hbm>>
    tpu.wait_dma2 semaphore(%arg18 : memref<!tpu.dma_semaphore, #tpu.memory_space<semaphore_mem>>) src(%dma_wait3A_57 : memref<6400xf32, #tpu.memory_space<hbm>>) dst(%arg12 : memref<6400xf32, #tpu.memory_space<vmem>>)
    %dma_wait3A_58 = arith.constant 0 : i32
    %dma_wait3A_59 = tpu.memref_slice %arg2[%dma_wait3A_58] : memref<102400000xf32, #tpu.memory_space<hbm>> -> memref<32xf32, #tpu.memory_space<hbm>>
    %dma_wait3A_60 = arith.constant 0 : i32
    %dma_wait3A_61 = tpu.memref_slice %arg2[%dma_wait3A_60] : memref<102400000xf32, #tpu.memory_space<hbm>> -> memref<32xf32, #tpu.memory_space<hbm>>
    tpu.wait_dma2 semaphore(%arg19 : memref<!tpu.dma_semaphore, #tpu.memory_space<semaphore_mem>>) src(%dma_wait3A_61 : memref<32xf32, #tpu.memory_space<hbm>>) dst(%arg15 : memref<32xf32, #tpu.memory_space<vmem>>)
    %broadcast_in_dim3A = arith.constant 0xFF800000 : f32
    %broadcast_in_dim3A_62 = vector.broadcast %broadcast_in_dim3A : f32 to vector<16xf32>
    %scan3A_63 = arith.constant 0 : i32
    %scan3A_64 = arith.constant 200 : i32
    %scan3A_65 = arith.addi %scan3A_63, %scan3A_64 : i32
    %scan3A_66 = arith.constant 1 : i32
    %scan3A_67:2 = scf.for %scan3A_100 = %scan3A_63 to %scan3A_65 step %scan3A_66 iter_args(%scan3A_101 = %broadcast_in_dim3A_62, %scan3A_102 = %broadcast_in_dim3A_62) -> (vector<16xf32>, vector<16xf32>)  : i32 {
      %mul3A_103 = arith.constant 32 : i32
      %mul3A_104 = arith.muli %scan3A_100, %mul3A_103 : i32
      %get3A_105 = arith.index_cast %mul3A_104 : i32 to index
      %get3A_106 = tpu.vector_load %arg12[%get3A_105] {strides = array<i32>} : memref<6400xf32, #tpu.memory_space<vmem>>, vector<16xf32>,
      %get3A_107 = vector.shape_cast %get3A_106 : vector<16xf32> to vector<16xf32>
      %mul3A_108 = arith.constant 32 : i32
      %mul3A_109 = arith.muli %scan3A_100, %mul3A_108 : i32
      %add3A_110 = arith.constant 16 : i32
      %add3A_111 = arith.addi %mul3A_109, %add3A_110 : i32
      %get3A_112 = arith.index_cast %add3A_111 : i32 to index
      %get3A_113 = tpu.vector_load %arg12[%get3A_112] {strides = array<i32>} : memref<6400xf32, #tpu.memory_space<vmem>>, vector<16xf32>,
      %get3A_114 = vector.shape_cast %get3A_113 : vector<16xf32> to vector<16xf32>
      %max3A = arith.maximumf %scan3A_101, %get3A_107 : vector<16xf32>
      %max3A_115 = arith.maximumf %scan3A_102, %get3A_114 : vector<16xf32>
      scf.yield %max3A, %max3A_115 : vector<16xf32>, vector<16xf32>
    }
    %scan3A_68 = arith.constant 200 : i32
    %broadcast_in_dim3A_69 = arith.constant 0.000000e+00 : f32
    %broadcast_in_dim3A_70 = vector.broadcast %broadcast_in_dim3A_69 : f32 to vector<16xf32>
    %scan3A_71 = arith.constant 0 : i32
    %scan3A_72 = arith.constant 200 : i32
    %scan3A_73 = arith.addi %scan3A_71, %scan3A_72 : i32
    %scan3A_74 = arith.constant 1 : i32
    %scan3A_75:2 = scf.for %scan3A_100 = %scan3A_71 to %scan3A_73 step %scan3A_74 iter_args(%scan3A_101 = %broadcast_in_dim3A_70, %scan3A_102 = %broadcast_in_dim3A_70) -> (vector<16xf32>, vector<16xf32>)  : i32 {
      %mul3A_103 = arith.constant 32 : i32
      %mul3A_104 = arith.muli %scan3A_100, %mul3A_103 : i32
      %get3A_105 = arith.index_cast %mul3A_104 : i32 to index
      %get3A_106 = tpu.vector_load %arg12[%get3A_105] {strides = array<i32>} : memref<6400xf32, #tpu.memory_space<vmem>>, vector<16xf32>,
      %get3A_107 = vector.shape_cast %get3A_106 : vector<16xf32> to vector<16xf32>
      %mul3A_108 = arith.constant 32 : i32
      %mul3A_109 = arith.muli %scan3A_100, %mul3A_108 : i32
      %add3A_110 = arith.constant 16 : i32
      %add3A_111 = arith.addi %mul3A_109, %add3A_110 : i32
      %get3A_112 = arith.index_cast %add3A_111 : i32 to index
      %get3A_113 = tpu.vector_load %arg12[%get3A_112] {strides = array<i32>} : memref<6400xf32, #tpu.memory_space<vmem>>, vector<16xf32>,
      %get3A_114 = vector.shape_cast %get3A_113 : vector<16xf32> to vector<16xf32>
      %sub3A_115 = arith.subf %get3A_107, %scan3A_67#0 : vector<16xf32>
      %exp3A = math.exp %sub3A_115 : vector<16xf32>
      %add3A_116 = arith.addf %scan3A_101, %exp3A : vector<16xf32>
      %sub3A_117 = arith.subf %get3A_114, %scan3A_67#1 : vector<16xf32>
      %exp3A_118 = math.exp %sub3A_117 : vector<16xf32>
      %add3A_119 = arith.addf %scan3A_102, %exp3A_118 : vector<16xf32>
      scf.yield %add3A_116, %add3A_119 : vector<16xf32>, vector<16xf32>
    }
    %scan3A_76 = arith.constant 200 : i32
    %get3A_77 = arith.constant 0 : index
    %get3A_78 = tpu.vector_load %arg15[%get3A_77] {strides = array<i32>} : memref<32xf32, #tpu.memory_space<vmem>>, vector<16xf32>,
    %get3A_79 = vector.shape_cast %get3A_78 : vector<16xf32> to vector<16xf32>
    %sub3A = arith.subf %scan3A_67#0, %get3A_79 : vector<16xf32>
    %swap3A_80 = arith.constant 0 : index
    %swap3A_81 = tpu.vector_load %arg16[%swap3A_80] {strides = array<i32>} : memref<32xf32, #tpu.memory_space<vmem>>, vector<16xf32>,
    %swap3A_82 = vector.shape_cast %swap3A_81 : vector<16xf32> to vector<16xf32>
    %swap3A_83 = vector.shape_cast %sub3A : vector<16xf32> to vector<16xf32>
    tpu.vector_store %arg16[%swap3A_80], %swap3A_83 {strides = array<i32>} : memref<32xf32, #tpu.memory_space<vmem>>, vector<16xf32>,
    %get3A_84 = arith.constant 16 : index
    %get3A_85 = tpu.vector_load %arg15[%get3A_84] {strides = array<i32>} : memref<32xf32, #tpu.memory_space<vmem>>, vector<16xf32>,
    %get3A_86 = vector.shape_cast %get3A_85 : vector<16xf32> to vector<16xf32>
    %sub3A_87 = arith.subf %scan3A_67#1, %get3A_86 : vector<16xf32>
    %swap3A_88 = arith.constant 16 : index
    %swap3A_89 = tpu.vector_load %arg16[%swap3A_88] {strides = array<i32>} : memref<32xf32, #tpu.memory_space<vmem>>, vector<16xf32>,
    %swap3A_90 = vector.shape_cast %swap3A_89 : vector<16xf32> to vector<16xf32>
    %swap3A_91 = vector.shape_cast %sub3A_87 : vector<16xf32> to vector<16xf32>
    tpu.vector_store %arg16[%swap3A_88], %swap3A_91 {strides = array<i32>} : memref<32xf32, #tpu.memory_space<vmem>>, vector<16xf32>,
    %swap3A_92 = arith.constant 0 : index
    %swap3A_93 = tpu.vector_load %arg17[%swap3A_92] {strides = array<i32>} : memref<32xf32, #tpu.memory_space<vmem>>, vector<16xf32>,
    %swap3A_94 = vector.shape_cast %swap3A_93 : vector<16xf32> to vector<16xf32>
    %swap3A_95 = vector.shape_cast %scan3A_75#0 : vector<16xf32> to vector<16xf32>
    tpu.vector_store %arg17[%swap3A_92], %swap3A_95 {strides = array<i32>} : memref<32xf32, #tpu.memory_space<vmem>>, vector<16xf32>,
    %swap3A_96 = arith.constant 16 : index
    %swap3A_97 = tpu.vector_load %arg17[%swap3A_96] {strides = array<i32>} : memref<32xf32, #tpu.memory_space<vmem>>, vector<16xf32>,
    %swap3A_98 = vector.shape_cast %swap3A_97 : vector<16xf32> to vector<16xf32>
    %swap3A_99 = vector.shape_cast %scan3A_75#1 : vector<16xf32> to vector<16xf32>
    tpu.vector_store %arg17[%swap3A_96], %swap3A_99 {strides = array<i32>} : memref<32xf32, #tpu.memory_space<vmem>>, vector<16xf32>,
    "tpu.region"() ({
      %run_scoped3A = tpu.sem_alloc : memref<!tpu.dma_semaphore, #tpu.memory_space<semaphore_mem>>
      %dma_start3A_100 = tpu.memref_slice %arg7[%mul3A_2] : memref<1024xf32, #tpu.memory_space<hbm>> -> memref<32xf32, #tpu.memory_space<hbm>>
      %dma_start3A_101 = tpu.memref_slice %arg7[%mul3A_2] : memref<1024xf32, #tpu.memory_space<hbm>> -> memref<32xf32, #tpu.memory_space<hbm>>
      tpu.enqueue_dma source(%arg16 : memref<32xf32, #tpu.memory_space<vmem>>) target(%dma_start3A_101 : memref<32xf32, #tpu.memory_space<hbm>>) target_semaphore(%run_scoped3A : memref<!tpu.dma_semaphore, #tpu.memory_space<semaphore_mem>>)
      %dma_wait3A_102 = tpu.memref_slice %arg7[%mul3A_2] : memref<1024xf32, #tpu.memory_space<hbm>> -> memref<32xf32, #tpu.memory_space<hbm>>
      %dma_wait3A_103 = tpu.memref_slice %arg7[%mul3A_2] : memref<1024xf32, #tpu.memory_space<hbm>> -> memref<32xf32, #tpu.memory_space<hbm>>
      tpu.wait_dma2 semaphore(%run_scoped3A : memref<!tpu.dma_semaphore, #tpu.memory_space<semaphore_mem>>) src(%arg16 : memref<32xf32, #tpu.memory_space<vmem>>) dst(%dma_wait3A_103 : memref<32xf32, #tpu.memory_space<hbm>>)
      tpu.yield
    }) : () -> ()
    "tpu.region"() ({
      %run_scoped3A = tpu.sem_alloc : memref<!tpu.dma_semaphore, #tpu.memory_space<semaphore_mem>>
      %dma_start3A_100 = tpu.memref_slice %arg8[%mul3A_2] : memref<1024xf32, #tpu.memory_space<hbm>> -> memref<32xf32, #tpu.memory_space<hbm>>
      %dma_start3A_101 = tpu.memref_slice %arg8[%mul3A_2] : memref<1024xf32, #tpu.memory_space<hbm>> -> memref<32xf32, #tpu.memory_space<hbm>>
      tpu.enqueue_dma source(%arg17 : memref<32xf32, #tpu.memory_space<vmem>>) target(%dma_start3A_101 : memref<32xf32, #tpu.memory_space<hbm>>) target_semaphore(%run_scoped3A : memref<!tpu.dma_semaphore, #tpu.memory_space<semaphore_mem>>)
      %dma_wait3A_102 = tpu.memref_slice %arg8[%mul3A_2] : memref<1024xf32, #tpu.memory_space<hbm>> -> memref<32xf32, #tpu.memory_space<hbm>>
      %dma_wait3A_103 = tpu.memref_slice %arg8[%mul3A_2] : memref<1024xf32, #tpu.memory_space<hbm>> -> memref<32xf32, #tpu.memory_space<hbm>>
      tpu.wait_dma2 semaphore(%run_scoped3A : memref<!tpu.dma_semaphore, #tpu.memory_space<semaphore_mem>>) src(%arg17 : memref<32xf32, #tpu.memory_space<vmem>>) dst(%dma_wait3A_103 : memref<32xf32, #tpu.memory_space<hbm>>)
      tpu.yield
    }) : () -> ()
    return
  }
}

module attributes {stable_mosaic.version = 14 : i64} {
  func.func @_finish_body(%arg0: memref<8x128xf32, #tpu.memory_space<vmem>>, %arg1: memref<8x128xf32, #tpu.memory_space<vmem>>, %arg2: memref<1x1xf32, #tpu.memory_space<smem>>) attributes {dimension_semantics = [], scalar_prefetch = 0 : i64, scratch_operands = 0 : i64, tpu.core_type = #tpu.core_type<tc>} {
    %get3A = arith.constant 0 : index
    %get3A_0 = arith.constant 0 : index
    %get3A_1 = vector.load %arg0[%get3A, %get3A_0] : memref<8x128xf32, #tpu.memory_space<vmem>>, vector<8x128xf32>
    %get3A_2 = arith.constant 0 : index
    %get3A_3 = arith.constant 0 : index
    %get3A_4 = vector.load %arg1[%get3A_2, %get3A_3] : memref<8x128xf32, #tpu.memory_space<vmem>>, vector<8x128xf32>
    %log3A = math.log %get3A_4 : vector<8x128xf32>
    %add3A = arith.addf %get3A_1, %log3A : vector<8x128xf32>
    %reduce_sum3A = vector.shape_cast %add3A : vector<8x128xf32> to vector<1x8x128xf32>
    %reduce_sum3A_5 = arith.constant dense<0.000000e+00> : vector<1xf32>
    %reduce_sum3A_6 = vector.multi_reduction <add>, %reduce_sum3A, %reduce_sum3A_5 [1, 2] : vector<1x8x128xf32> to vector<1xf32>
    %reduce_sum3A_7 = vector.shape_cast %reduce_sum3A_6 : vector<1xf32> to vector<1x1x1xf32>
    %reduce_sum3A_8 = vector.extract %reduce_sum3A_7[0, 0, 0] : f32 from vector<1x1x1xf32>
    %div3A = arith.constant 1.024000e+03 : f32
    %div3A_9 = arith.divf %reduce_sum3A_8, %div3A : f32
    %swap3A = arith.constant 0 : index
    %swap3A_10 = arith.constant 0 : index
    %swap3A_11 = memref.load %arg2[%swap3A, %swap3A_10] : memref<1x1xf32, #tpu.memory_space<smem>>
    memref.store %div3A_9, %arg2[%swap3A, %swap3A_10] : memref<1x1xf32, #tpu.memory_space<smem>>
    return
  }
}

</mosaic_0001>

<sc_bundles>
// kernel: kernel.4.cloned.1.call-start
scs
__scs_entry_jumppad:
0x0: {  	(pc) =	sbr.rel $0x88, $3  }
0x1: {  	(tag) =	ssettag $0x0;
	lr =	simm.s32 $0x1  }
0x2: {  	[smem:$0x3F9E] =	sst lr;
	_ =	strace $0xD0000000  }
0x3: {  	_ = 	snop  }
0x4: {  	_ = 	snop  }
0x5: {  	_ = 	snop  }
0x6: {  	_ = 	snop  }
0x7: {  	_ = 	snop  }
__scs_overlays_trampoline_lowered:
0x8: {  	[smem:$0x3FAD] =	sst s0  }
0x9: {  	[smem:$0x3FAE] =	sst s1  }
0xa: {  	[smem:$0x3FAF] =	sst s2  }
0xb: {  	[smem:$0x3FB0] =	sst s3  }
0xc: {  	[smem:$0x3FB1] =	sst s4  }
0xd: {  	[smem:$0x3FB2] =	sst s5  }
0xe: {  	[smem:$0x3FB3] =	sst s6  }
0xf: {  	[smem:$0x3FB4] =	sst s7  }
0x10: {  	[smem:$0x3FB5] =	sst s8  }
0x11: {  	[smem:$0x3FB6] =	sst s9;
	s0 =	simm.s32 @!p0 $0x0  }
0x12: {  	s1 =	sld [smem:$0x3F9C];
	s0 =	simm.s32 @p0 $0x1  }
0x13: {  	[smem:$0x3FB7] =	sst s0;
	s0 =	simm.s32 @!p1 $0x0  }
0x14: {  	s2 =	sld [smem:$0x3F9B];
	s0 =	simm.s32 @p1 $0x1  }
0x15: {  	[smem:$0x3FB8] =	sst s0;
	s0 =	simm.s32 @!p2 $0x0  }
0x16: {  	s3 =	sld [smem:$0x3FDB];
	s0 =	simm.s32 @p2 $0x1  }
0x17: {  	s4 =	simm.s32 $0x1BF5;
	[smem:$0x3FBA] =	sst s0  }
0x18: {  	s0 =	sld [smem:$0x3F9D];
	_ =	swait.ge [sflag:s4], $0x0  }
0x19: {  	s7 =	sld [smem:$0x3F9E]  }
0x1a: {  	s8 =	sadd.s32 $0xFFFFE003, lr  }
0x1b: {  	s9 =	sadd.s32 $0xFFFFFEF7, lr;
	s5 =	simm.s32 $0xFFFFFFFF;
	p2 =	slt.u32 s8, $0xFFFFF086  }
0x1c: {  	p1 =	slt.u32 s9, $0xF7A;
	s5 =	simm.s32 @!p2 $0x0  }
0x1d: {  	s5 =	simm.s32 @p1 $0x1;
	p0 =	seq.s32 s7, s2  }
0x1e: {  	s7 =	smul.u32 @!p0 $0xF7A, s2;
	p2 =	seq.s32 @!p0 s5, $0x0  }
0x1f: {  	s9 =	smul.u32 $0xF7A, s1;
	s8 =	simm.s32 @!p0 $0x1BF5;
	p2 =	por !p2, p0  }
0x20: {  	[sflag:s8] =	ssyncset.s32 @!p0 $0xFFFFF086;
	s6 =	sadd.s32 @!p0 s3, s7;
	s7 =	simm.s32 @!p0 $0x108  }
0x21: {  	s3 =	sadd.s32 s3, s9;
	s6 =	sadd.s32 @!p0 $0x88, s6;
	s7 =	simm.s32 @p2 $0x1082  }
0x22: {  	[simem:s7], [sflag:s8] =	dma.local @!p0 [hbm:s6], $0xF7A  }
0x23: {  	s9 =	sor.u32 $0xD0000000, s2;
	s6 =	simm.s32 $0x108;
	_ =	swait.ge @!p0 [sflag:s8], $0x0  }
0x24: {  	s3 =	sadd.s32 $0x88, s3;
	s6 =	simm.s32 @!p1 $0x1082;
	[sflag:s4] =	ssyncset.s32 $0xFFFFF086  }
0x25: {  	[simem:s6], [sflag:s4] =	dma.local [hbm:s3], $0xF7A  }
0x26: {  	[smem:$0x3F9E] =	sst s1;
	(tag) =	ssettag s2;
	_ =	strace s9  }
0x27: {  	s1 =	sld [smem:$0x3FAE]  }
0x28: {  	s2 =	sld [smem:$0x3FAF]  }
0x29: {  	s4 =	sld [smem:$0x3FB1]  }
0x2a: {  	p0 =	seq.s32 s5, $0x0;
	s5 =	sld [smem:$0x3FB2]  }
0x2b: {  	s6 =	sld [smem:$0x3FB3]  }
0x2c: {  	s7 =	sld [smem:$0x3FB4]  }
0x2d: {  	s3 =	simm.s32 $0x108;
	s8 =	sld [smem:$0x3FB5]  }
0x2e: {  	s3 =	simm.s32 @!p0 $0x1082;
	s9 =	sld [smem:$0x3FB6]  }
0x2f: {  	lr =	sadd.s32 s0, s3;
	s0 =	sld [smem:$0x3FAD]  }
0x30: {  	s3 =	sld [smem:$0x3FB0]  }
0x31: {  	[smem:$0x3FB9] =	sst s10  }
0x32: {  	s10 =	sld [smem:$0x3FB7];
	_ =	sdelay $0x3  }
0x33: {  	p0 =	seq.s32 s10, $0x1;
	s10 =	sld [smem:$0x3FB9];
	_ =	sdelay $0x3  }
0x34: {  	[smem:$0x3FB9] =	sst s10  }
0x35: {  	s10 =	sld [smem:$0x3FB8];
	_ =	sdelay $0x3  }
0x36: {  	p1 =	seq.s32 s10, $0x1;
	s10 =	sld [smem:$0x3FB9];
	_ =	sdelay $0x3  }
0x37: {  	[smem:$0x3FB9] =	sst s10  }
0x38: {  	s10 =	sld [smem:$0x3FBA]  }
0x39: {  	_ = 	snop;
	(pc) =	sbr.ind lr, $3  }
0x3a: {  	_ = 	snop  }
0x3b: {  	_ = 	snop  }
0x3c: {  	p2 =	seq.s32 s10, $0x1;
	s10 =	sld [smem:$0x3FB9]  }
0x3d: {  	_ =	shalt  }
0x3e: {  	_ =	shalt  }
0x3f: {  	_ =	shalt  }
0x40: {  	_ =	shalt  }
0x41: {  	_ =	shalt  }
0x42: {  	_ =	shalt  }
0x43: {  	_ =	shalt  }
0x44: {  	_ =	shalt  }
0x45: {  	_ =	shalt  }
0x46: {  	_ =	shalt  }
0x47: {  	_ =	shalt  }
0x48: {  	_ =	shalt  }
0x49: {  	_ =	shalt  }
0x4a: {  	_ =	shalt  }
0x4b: {  	_ =	shalt  }
0x4c: {  	_ =	shalt  }
0x4d: {  	_ =	shalt  }
0x4e: {  	_ =	shalt  }
0x4f: {  	_ =	shalt  }
0x50: {  	_ =	shalt  }
0x51: {  	_ =	shalt  }
0x52: {  	_ =	shalt  }
0x53: {  	_ =	shalt  }
0x54: {  	_ =	shalt  }
0x55: {  	_ =	shalt  }
0x56: {  	_ =	shalt  }
0x57: {  	_ =	shalt  }
0x58: {  	_ =	shalt  }
0x59: {  	_ =	shalt  }
0x5a: {  	_ =	shalt  }
0x5b: {  	_ =	shalt  }
0x5c: {  	_ =	shalt  }
0x5d: {  	_ =	shalt  }
0x5e: {  	_ =	shalt  }
0x5f: {  	_ =	shalt  }
0x60: {  	_ =	shalt  }
0x61: {  	_ =	shalt  }
0x62: {  	_ =	shalt  }
0x63: {  	_ =	shalt  }
0x64: {  	_ =	shalt  }
0x65: {  	_ =	shalt  }
0x66: {  	_ =	shalt  }
0x67: {  	_ =	shalt  }
0x68: {  	_ =	shalt  }
0x69: {  	_ =	shalt  }
0x6a: {  	_ =	shalt  }
0x6b: {  	_ =	shalt  }
0x6c: {  	_ =	shalt  }
0x6d: {  	_ =	shalt  }
0x6e: {  	_ =	shalt  }
0x6f: {  	_ =	shalt  }
0x70: {  	_ =	shalt  }
0x71: {  	_ =	shalt  }
0x72: {  	_ =	shalt  }
0x73: {  	_ =	shalt  }
0x74: {  	_ =	shalt  }
0x75: {  	_ =	shalt  }
0x76: {  	_ =	shalt  }
0x77: {  	_ =	shalt  }
0x78: {  	_ =	shalt  }
0x79: {  	_ =	shalt  }
0x7a: {  	_ =	shalt  }
0x7b: {  	_ =	shalt  }
0x7c: {  	_ =	shalt  }
0x7d: {  	_ =	shalt  }
0x7e: {  	_ =	shalt  }
0x7f: {  	_ =	shalt  }
0x80: {  	_ =	shalt  }
0x81: {  	_ =	shalt  }
0x82: {  	_ =	shalt  }
0x83: {  	_ =	shalt  }
0x84: {  	_ =	shalt  }
0x85: {  	_ =	shalt  }
0x86: {  	_ =	shalt  }
0x87: {  	_ =	shalt  }
.Lfunc_end0:
.L_simem_size_0:
called_computation.1_lowered:
.L_overlay_start_0:
0x88: {  	s2 =	sld [smem:$0x3FD9]  }
0x89: {  	s3 =	sld [smem:$0x3FFE];
	_ =	sdelay $0x1  }
0x8a: {  	s1 =	srdreg.scid  }
0x8b: {  	s0 =	sand.u32 $0x1, s1  }
0x8c: {  	s17 =	sshll.u32 s0, $0xA;
	s2 =	sadd.s32 s3, s2  }
0x8d: {  	s2 =	sadd.s32 s2, s17  }
0x8e: {  	[smem:$0x3FC5] =	sst s2  }
0x8f: {  	_ = 	snop  }
0x90: {  	s2 =	sld [smem:$0x3FC8];
	(tm) =	ssettm $0x1  }
0x91: {  	s18 =	sld [smem:$0x3FFB];
	_ =	sdelay $0x3  }
0x92: {  	_ =	strace s18  }
0x93: {  	s3 =	sld [smem:$0x3FFC];
	_ =	sdelay $0x3  }
0x94: {  	_ =	strace s3  }
0x95: {  	s3 =	sld [smem:$0x3FFD];
	_ =	sdelay $0x3  }
0x96: {  	_ =	strace s3  }
0x97: {  	_ =	strace $0x8FFFFFFF  }
0x98: {  	s19 =	sld [smem:$0x3FDB];
	_ =	sdelay $0x1  }
0x99: {  	s4 =	simm.s32 $_scs_section_size  }
0x9a: {  	s5 =	simm.s32 $_size__tile_overlayer_lowered;
	s6 =	simm.s32 $_tile_overlayer_lowered  }
0x9b: {  	s22 =	simm.s32 $0x1BFF;
	s21 =	sshll.u32 s6, $0x1;
	s3 =	sadd.s32 s4, s19  }
0x9c: {  	s7 =	simm.s32 $0x0;
	s20 =	sshll.u32 s5, $0x1;
	s5 =	sadd.s32 s21, s3  }
0x9d: {  	[timem:s7], [sflag:s22] =	dma.local [hbm:s5], s20  }
0x9e: {  	_ =	swait.ge [sflag:s22], s20  }
0x9f: {  	s4 =	ssub.s32 $0x0, s20;
	[sflag:s22] =	ssyncset.done $0x0  }
0xa0: {  	[sflag:s22] =	ssyncadd.s32 s4;
	_ =	sdelay $0x1  }
0xa1: {  	s23 =	simm.s32 $0x1B8B  }
0xa2: {  	_ =	swait.ge [sflag:s23], $0x1  }
0xa3: {  	[sflag:s23] =	ssyncset.done $0x0  }
0xa4: {  	s25 =	simm.s32 $0x1B8E;
	s24 =	sld [smem:$0x3FFE];
	[sflag:s23] =	ssyncadd.s32 $0xFFFFFFFF  }
0xa5: {  	s26 =	simm.s32 $execute0_lowered;
	[smem:$0x3FD2] =	sst s25  }
0xa6: {  	s5 =	sshll.u32 s26, $0x1;
	_ =	strace $0x80000049;
	[dreg:$0x1] =	wrdreg $0xFFFFFFFF  }
0xa7: {  	s28 =	simm.s32 $_size_execute0_lowered;
	s3 =	sadd.s32 s3, s5;
	[dreg:$0x0] =	wrdreg $0x0  }
0xa8: {  	s5 =	sshll.u32 s28, $0x1;
	[dreg:$0x2] =	wrdreg s3  }
0xa9: {  	[dreg:$0x3] =	wrdreg s5  }
0xaa: {  	[dreg:$0x4] =	wrdreg $0xC0  }
0xab: {  	_ =	task [dreg:s7], $0x5FFFF  }
0xac: {  	[dreg:$0x1] =	wrdreg $0xFFFFFFFF  }
0xad: {  	[dreg:$0x0] =	wrdreg $0x60  }
0xae: {  	[dreg:$0x2] =	wrdreg s24  }
0xaf: {  	[dreg:$0x3] =	wrdreg s2  }
0xb0: {  	[dreg:$0x4] =	wrdreg $0x9  }
0xb1: {  	_ =	task.clear_ibuf [dreg:s7], $0x5FFFF;
	_ =	strace $0x90000049  }
0xb2: {  	s29 =	simm.s32 $0x9;
	_ =	strace $0x8000004B  }
0xb3: {  	_ =	swait.ge [sflag:s29], $0x1  }
0xb4: {  	[sflag:s29] =	ssyncadd.s32 $0xFFFFFFFF  }
0xb5: {  	_ =	strace $0x9000004B  }
0xb6: {  	_ =	sfence  }
0xb7: {  	s30 =	sld [smem:$0x0];
	_ =	sdelay $0x2  }
0xb8: {  	s31 =	sshll.u32 s1, $0xD;
	s1 =	sshrl.u32 s1, $0x2  }
0xb9: {  	s3 =	sand.u32 $0x4000, s31;
	s1 =	sadd.s32 s1, s30  }
0xba: {  	s0 =	sor.u32 s3, s0;
	s1 =	sshll.u32 s1, $0x11  }
0xbb: {  	s0 =	sor.u32 s1, s0  }
0xbc: {  	s0 =	sadd.s32 $0x8F2B, s0  }
0xbd: {  	[sflag:s0] =	ssyncadd.remote.s32 $0x1  }
0xbe: {  	_ =	sfence.sel $0xFFFF  }
0xbf: {  	[dreg:$0x0] =	wrdreg $0xFFFFFFFF;
	(pc) =	sbr.abs _section_cstart, $3  }
0xc0: {  	[dreg:$0x1] =	wrdreg $0xFFFFFFFF  }
0xc1: {  	_ =	task.clear_ibuf [dreg:s7], $0x2FFFF;
	_ =	strace $0x9FFFFFFF  }
0xc2: {  	(tm) =	ssettm $0x7FFFFFFF  }
0xc3: {  	_ =	shalt  }
tec
execute0_lowered:
.L_overlay_start_1:
0x0: {  	(tag) =	ssettag $0x1  }
0x1: {  	s5 =	rddreg [dreg:$0x0];
	s1 =	srdreg.scid  }
0x2: {  	s0 =	stileid.u32;
	s7 =	rddreg [dreg:$0x1]  }
0x3: {  	s2 =	simm.s32 $0x0;
	s14 =	simm.s32 $0x80;
	s15 =	simm.s32 $0x1  }
0x4: {  	s16 =	simm.s32 $0x20;
	s17 =	simm.s32 $0x6480;
	s18 =	simm.s32 $0x6500  }
0x5: {  	s19 =	simm.s32 $0x2;
	s6 =	sand.u32 $0x1, s1;
	s3 =	sshll.u32 s0, $0x1  }
0x6: {  	s20 =	simm.s32 $0x6580;
	s21 =	simm.s32 $0x6600;
	s8 =	sor.u32 s6, s3  }
0x7: {  	s9 =	smul.u32 $0x320, s8;
	s10 =	sshll.u32 s8, $0x2;
	s8 =	sshll.u32 s8, $0x5  }
0x8: {  	s22 =	simm.s32 $0x0;
	s1 =	rddreg [dreg:$0x2];
	s13 =	sor.u32 $0x10, s8  }
0x9: {  	[smem:$0x7FF] =	sst s2;
	s4 =	sadd.s32 $0x1800, s5;
	s6 =	ssub.s32 $0x2, s6;
	v0 =	vmov s8;
	v1 =	vmov s13  }
0xa: {  	_ =	strace $0x8000004A;
	s3 =	sadd.s32 $0xD59000, s5;
	s11 =	sshrl.u32 s6, $0x1;
	v0 =	vmul.u32 $0x186A0, v0;
	v1 =	vmul.u32 $0x186A0, v1  }
0xb: {  	v2 =	vlaneseq.u32;
	s12 =	sadd.s32 s10, s5;
	s11 =	ssub.s32 s6, s11;
	s7 =	sadd.s32 s7, s10  }
0xc: {  	v2 =	vmul.u32 $0x186A0, v2;
	s9 =	sadd.s32 s9, s5;
	s8 =	sadd.s32 $0x10E200, s12;
	s10 =	smax.u32 s11, $0x1;
	v0 =	vbroadcast v0, $0x0;
	v1 =	vbroadcast v1, $0x0  }
0xd: {  	s11 =	simm.s32 $0x3;
	s5 =	sadd.s32 $0x107E00, s9;
	s6 =	sadd.s32 $0x101A00, s9  }
0xe: {  	s13 =	simm.s32 $0x6400;
	s9 =	sadd.s32 $0x10E400, s12;
	s12 =	simm.s32 $0x3200;
	v0 =	vadd.s32 v2, v0;
	v1 =	vadd.s32 v2, v1  }
.LBB2_1:
0xf: {  	[tilespmem:s2], [sflag:$0x3] =	stream.linear.gather [hbm4b:s5+s2], $0x1900, $0x38;
	[tilespmem:$0x6680] =	vst v63  }
0x10: {  	_ =	swait.ge [sflag:s11], $0x1900  }
0x11: {  	[sflag:s11] =	ssyncset.done $0x0  }
0x12: {  	[sflag:s11] =	ssyncadd.s32 $0xFFFFE700  }
0x13: {  	[tilespmem:s12], [sflag:$0x3] =	stream.linear.gather [hbm4b:s6+s2], $0x1900, $0x38;
	[tilespmem:$0x6680] =	vst v63  }
0x14: {  	_ =	swait.ge [sflag:s11], $0x1900  }
0x15: {  	[sflag:s11] =	ssyncset.done $0x0  }
0x16: {  	[sflag:s11] =	ssyncadd.s32 $0xFFFFE700  }
0x17: {  	[tilespmem:s13], [sflag:$0x3] =	stream.linear.gather [hbm4b:s7+s2], $0x20, $0x38;
	[tilespmem:$0x6680] =	vst v63  }
0x18: {  	_ =	swait.ge [sflag:s11], $0x20  }
0x19: {  	s23 =	simm.s32 $0x200;
	[sflag:s11] =	ssyncset.done $0x0  }
0x1a: {  	s24 =	simm.s32 $0x0;
	s25 =	simm.s32 $0x1900;
	[sflag:s11] =	ssyncadd.s32 $0xFFFFFFE0  }
.LBB2_2:
0x1b: {  	[tilespmem:s25], [sflag:$0x1] =	stream.indirect.gather [hbm4b:s4+s14], $0x1, s24, s14, $0xb8;
	[tilespmem:$0x6680] =	vst v63  }
0x1c: {  	s24 =	smov.u32 s23;
	p0 =	sne.s32 s23, $0x6200  }
.Ltmp0:
0x1d: {  	s23 =	sadd.s32 $0x200, s23;
	(pc) =	sbr.rel @p0 .LBB2_2-.Ltmp0, $3  }
0x1e: {  	_ =	sdelay $0x1  }
0x1f: {  	s24 =	sshra.s32 s24, $0x2  }
0x20: {  	s25 =	sadd.s32 $0x1900, s24  }
0x21: {  	[tilespmem:s25], [sflag:$0x1] =	stream.indirect.gather [hbm4b:s4+s14], $0x1, s24, s14, $0xb8;
	[tilespmem:$0x6680] =	vst v63  }
0x22: {  	_ =	swait.ge [sflag:s15], $0x1900  }
0x23: {  	[sflag:s15] =	ssyncset.done $0x0  }
0x24: {  	s23 =	simm.s32 $0x0;
	[sflag:s15] =	ssyncadd.s32 $0xFFFFE700  }
0x25: {  	v2 =	vld [tilespmem:s23+$0x1970]  }
0x26: {  	v3 =	vld [tilespmem:s23+$0x3270]  }
0x27: {  	v4 =	vld [tilespmem:s23+$0x1900]  }
0x28: {  	v5 =	vld [tilespmem:s23+$0x3200]  }
0x29: {  	v6 =	vld [tilespmem:s23+$0x1910]  }
0x2a: {  	v7 =	vld [tilespmem:s23+$0x3210]  }
0x2b: {  	v8 =	vld [tilespmem:s23+$0x1920]  }
0x2c: {  	v2 =	vadd.s32 v2, v3;
	v3 =	vld [tilespmem:s23+$0x3220]  }
0x2d: {  	[tilespmem:s23+$0x70] =	vst v2;
	v2 =	vadd.s32 v4, v5;
	v4 =	vld [tilespmem:s23+$0x1930]  }
0x2e: {  	[tilespmem:s23+$0x0] =	vst v2;
	v2 =	vld [tilespmem:s23+$0x3230]  }
0x2f: {  	v9 =	vld [tilespmem:s23+$0x3240]  }
0x30: {  	v5 =	vadd.s32 v6, v7;
	v7 =	vld [tilespmem:s23+$0x1940]  }
0x31: {  	[tilespmem:s23+$0x10] =	vst v5;
	v5 =	vadd.s32 v8, v3;
	v3 =	vld [tilespmem:s23+$0x1950]  }
0x32: {  	[tilespmem:s23+$0x20] =	vst v5;
	v5 =	vld [tilespmem:s23+$0x3250]  }
0x33: {  	v6 =	vld [tilespmem:s23+$0x3260];
	v2 =	vadd.s32 v4, v2  }
0x34: {  	s24 =	simm.s32 $0x80;
	v4 =	vld [tilespmem:s23+$0x1960];
	[tilespmem:s23+$0x30] =	vst v2  }
0x35: {  	s25 =	simm.s32 $0x400;
	v7 =	vadd.s32 v7, v9;
	v2 =	vld [tilespmem:s24+$0x1970]  }
.LBB2_4:
0x36: {  	p0 =	sne.s32 s25, $0x6200;
	v8 =	vld [tilespmem:s24+$0x3270];
	[tilespmem:s23+$0x40] =	vst v7  }
0x37: {  	v7 =	vld [tilespmem:s24+$0x1900];
	v3 =	vadd.s32 v3, v5  }
0x38: {  	v5 =	vld [tilespmem:s24+$0x3200];
	[tilespmem:s23+$0x50] =	vst v3  }
0x39: {  	v3 =	vld [tilespmem:s24+$0x1910];
	v4 =	vadd.s32 v4, v6  }
0x3a: {  	v6 =	vld [tilespmem:s24+$0x3210];
	[tilespmem:s23+$0x60] =	vst v4;
	s23 =	smov.u32 s24  }
0x3b: {  	v4 =	vld [tilespmem:s23+$0x1920];
	v2 =	vadd.s32 v2, v8  }
0x3c: {  	v8 =	vld [tilespmem:s23+$0x3220];
	[tilespmem:s23+$0x70] =	vst v2  }
0x3d: {  	v2 =	vadd.s32 v7, v5;
	v7 =	vld [tilespmem:s23+$0x1930]  }
0x3e: {  	[tilespmem:s23+$0x0] =	vst v2;
	v2 =	vld [tilespmem:s23+$0x3230]  }
0x3f: {  	v3 =	vadd.s32 v3, v6;
	v9 =	vld [tilespmem:s23+$0x1940]  }
0x40: {  	[tilespmem:s23+$0x10] =	vst v3;
	v10 =	vld [tilespmem:s23+$0x3240]  }
.Ltmp1:
0x41: {  	v4 =	vadd.s32 v4, v8;
	v3 =	vld [tilespmem:s23+$0x1950];
	(pc) =	sbr.rel @p0 .LBB2_4-.Ltmp1, $4  }
0x42: {  	[tilespmem:s23+$0x20] =	vst v4;
	v5 =	vld [tilespmem:s23+$0x3250]  }
0x43: {  	v2 =	vadd.s32 v7, v2;
	v4 =	vld [tilespmem:s23+$0x1960]  }
0x44: {  	s24 =	sshra.s32 s25, $0x2;
	[tilespmem:s23+$0x30] =	vst v2;
	v6 =	vld [tilespmem:s23+$0x3260]  }
0x45: {  	s25 =	sadd.s32 $0x200, s25;
	v2 =	vld [tilespmem:s24+$0x1970];
	v7 =	vadd.s32 v9, v10  }
0x46: {  	v8 =	vld [tilespmem:s24+$0x3270];
	[tilespmem:s23+$0x40] =	vst v7  }
0x47: {  	v7 =	vld [tilespmem:s24+$0x1900];
	v3 =	vadd.s32 v3, v5  }
0x48: {  	v56 =	vld [tilespmem:s24+$0x3200];
	[tilespmem:s23+$0x50] =	vst v3  }
0x49: {  	v3 =	vld [tilespmem:s24+$0x1910];
	v4 =	vadd.s32 v4, v6  }
0x4a: {  	v57 =	vld [tilespmem:s24+$0x3210];
	[tilespmem:s23+$0x60] =	vst v4  }
0x4b: {  	v4 =	vld [tilespmem:s24+$0x1920]  }
0x4c: {  	v2 =	vadd.s32 v2, v8;
	v58 =	vld [tilespmem:s24+$0x3220]  }
0x4d: {  	v59 =	vld [tilespmem:s24+$0x1930];
	[tilespmem:s24+$0x70] =	vst v2;
	v2 =	vadd.s32 v7, v56  }
0x4e: {  	[tilespmem:s24+$0x0] =	vst v2;
	v2 =	vld [tilespmem:s24+$0x3230]  }
0x4f: {  	v60 =	vld [tilespmem:s24+$0x1940]  }
0x50: {  	v61 =	vld [tilespmem:s24+$0x1950]  }
0x51: {  	v62 =	vld [tilespmem:s24+$0x3250];
	v3 =	vadd.s32 v3, v57  }
0x52: {  	[tilespmem:s24+$0x10] =	vst v3;
	v3 =	vld [tilespmem:s24+$0x3240]  }
0x53: {  	v63 =	vld [tilespmem:s24+$0x1960];
	v2 =	vadd.s32 v59, v2  }
0x54: {  	[tilespmem:s24+$0x30] =	vst v2;
	v2 =	vld [tilespmem:s24+$0x3260];
	_ =	sdelay $0x1  }
0x55: {  	v4 =	vadd.s32 v4, v58  }
0x56: {  	[tilespmem:s24+$0x20] =	vst v4;
	v3 =	vadd.s32 v60, v3  }
0x57: {  	[tilespmem:s24+$0x40] =	vst v3;
	v3 =	vadd.s32 v61, v62  }
0x58: {  	[tilespmem:s24+$0x50] =	vst v3;
	v2 =	vadd.s32 v63, v2  }
0x59: {  	[tilespmem:s24+$0x60] =	vst v2  }
0x5a: {  	v2 =	vld [tilespmem:$0x6400]  }
0x5b: {  	v3 =	vld [tilespmem:$0x6410];
	_ =	sdelay $0x3  }
0x5c: {  	v2 =	vadd.s32 v2, v0  }
0x5d: {  	[tilespmem:$0x6480] =	vst v2;
	v2 =	vadd.s32 v3, v1  }
0x5e: {  	s25 =	simm.s32 $0x4B00;
	s23 =	simm.s32 $0x200;
	s24 =	simm.s32 $0x0;
	[tilespmem:$0x6490] =	vst v2  }
0x5f: {  	[tilespmem:s18], [sflag:$0x2] =	stream.indirect.gather [hbm4b:s3+s16], $0x1, s17, s16, $0xb8;
	[tilespmem:$0x6680] =	vst v63  }
.LBB2_6:
0x60: {  	[tilespmem:s25], [sflag:$0x1] =	stream.indirect.gather [hbm4b:s3+s14], $0x1, s24, s14, $0xb8;
	[tilespmem:$0x6680] =	vst v63  }
0x61: {  	s24 =	smov.u32 s23;
	p0 =	sne.s32 s23, $0x6200  }
.Ltmp2:
0x62: {  	s23 =	sadd.s32 $0x200, s23;
	(pc) =	sbr.rel @p0 .LBB2_6-.Ltmp2, $3  }
0x63: {  	_ =	sdelay $0x1  }
0x64: {  	s24 =	sshra.s32 s24, $0x2  }
0x65: {  	s25 =	sadd.s32 $0x4B00, s24  }
0x66: {  	[tilespmem:s25], [sflag:$0x1] =	stream.indirect.gather [hbm4b:s3+s14], $0x1, s24, s14, $0xb8;
	[tilespmem:$0x6680] =	vst v63  }
0x67: {  	_ =	swait.ge [sflag:s15], $0x1900  }
0x68: {  	[sflag:s15] =	ssyncset.done $0x0  }
0x69: {  	[sflag:s15] =	ssyncadd.s32 $0xFFFFE700  }
0x6a: {  	_ =	swait.ge [sflag:s19], $0x20  }
0x6b: {  	[sflag:s19] =	ssyncset.done $0x0  }
0x6c: {  	s23 =	simm.s32 $0x0;
	[sflag:s19] =	ssyncadd.s32 $0xFFFFFFE0  }
0x6d: {  	v3 =	vld [tilespmem:s23+$0x4B10]  }
0x6e: {  	v2 =	vimm.f32 $-Inf;
	s24 =	simm.s32 $0x80;
	v4 =	vimm.f32 $-Inf;
	v5 =	vld [tilespmem:s23+$0x4B00]  }
.LBB2_8:
0x6f: {  	p0 =	sne.s32 s24, $0x6380  }
.Ltmp3:
0x70: {  	_ = 	snop;
	(pc) =	sbr.rel @p0 .LBB2_8-.Ltmp3, $4  }
0x71: {  	_ = 	snop  }
0x72: {  	s25 =	sshra.s32 s24, $0x2;
	s24 =	sadd.s32 $0x80, s24;
	v2 =	vmax.f32 v2, v3  }
0x73: {  	v3 =	vld [tilespmem:s25+$0x4B10];
	v4 =	vmax.f32 v4, v5  }
0x74: {  	v5 =	vld [tilespmem:s25+$0x4B00]  }
0x75: {  	v6 =	vld [tilespmem:s23+$0x4B10]  }
0x76: {  	v7 =	vld [tilespmem:s23+$0x4B00]  }
0x77: {  	s31 =	simm.s32 $0x20  }
0x78: {  	v8 =	vld [tilespmem:s31+$0x4B10]  }
0x79: {  	v9 =	vld [tilespmem:s31+$0x4B00];
	v2 =	vmax.f32 v2, v3  }
0x7a: {  	v3 =	vmax.f32 v4, v5;
	v4 =	vsub.f32 v6, v2  }
0x7b: {  	v5 =	vsub.f32 v7, v3  }
0x7c: {  	v4 =	vmul.f32 $1.442695020e+00, v4  }
0x7d: {  	v6 =	vsub.f32 v8, v2;
	v5 =	vmul.f32 $1.442695020e+00, v5  }
0x7e: {  	v7 =	vsub.f32 v9, v3;
	(erf) = vpow2.f32 v4  }
0x7f: {  	v4 =	vmul.f32 $1.442695020e+00, v6;
	(erf) = vpow2.f32 v5  }
0x80: {  	s24 =	simm.s32 $0x40;
	v5 =	vmul.f32 $1.442695020e+00, v7  }
0x81: {  	v6 =	vld [tilespmem:s24+$0x4B10];
	(erf) = vpow2.f32 v4  }
0x82: {  	v7 =	vld [tilespmem:s24+$0x4B00];
	(erf) = vpow2.f32 v5;
	_ =	sdelay $0x2  }
0x83: {  	s23 =	simm.s32 $0x180;
	v4 =	vimm.f32 $0.0e+00;
	v5 =	vimm.f32 $0.0e+00  }
.LBB2_10:
0x84: {  	s24 =	sshra.s32 s23, $0x2;
	p0 =	sne.s32 s23, $0x6380;
	s23 =	sadd.s32 $0x80, s23;
	v8 =	vsub.f32 v6, v2  }
.Ltmp4:
0x85: {  	v6 =	vld [tilespmem:s24+$0x4B10];
	v9 =	vsub.f32 v7, v3;
	v10 =	vpop (erf);
	(pc) =	sbr.rel @p0 .LBB2_10-.Ltmp4, $4  }
0x86: {  	v7 =	vld [tilespmem:s24+$0x4B00];
	v8 =	vmul.f32 $1.442695020e+00, v8;
	v4 =	vadd.f32 v10, v4;
	v10 =	vpop (erf)  }
0x87: {  	v9 =	vmul.f32 $1.442695020e+00, v9;
	v5 =	vadd.f32 v10, v5  }
0x88: {  	(erf) = vpow2.f32 v8  }
0x89: {  	(erf) = vpow2.f32 v9  }
0x8a: {  	v6 =	vsub.f32 v6, v2  }
0x8b: {  	v7 =	vsub.f32 v7, v3  }
0x8c: {  	v6 =	vmul.f32 $1.442695020e+00, v6  }
0x8d: {  	v7 =	vmul.f32 $1.442695020e+00, v7  }
0x8e: {  	(erf) = vpow2.f32 v6  }
0x8f: {  	(erf) = vpow2.f32 v7;
	_ =	sdelay $0x1  }
0x90: {  	v58 =	vld [tilespmem:$0x6500]  }
0x91: {  	v8 =	vld [tilespmem:$0x6510]  }
0x92: {  	v59 =	vpop (erf)  }
0x93: {  	v9 =	vpop (erf);
	v4 =	vadd.f32 v59, v4  }
0x94: {  	v5 =	vadd.f32 v9, v5;
	v60 =	vpop (erf)  }
0x95: {  	v3 =	vsub.f32 v3, v58;
	v61 =	vpop (erf);
	v4 =	vadd.f32 v60, v4  }
0x96: {  	v2 =	vsub.f32 v2, v8;
	v5 =	vadd.f32 v61, v5;
	v62 =	vpop (erf)  }
0x97: {  	[tilespmem:$0x6580] =	vst v3;
	v63 =	vpop (erf);
	v3 =	vadd.f32 v62, v4  }
0x98: {  	[tilespmem:$0x6590] =	vst v2;
	v5 =	vadd.f32 v63, v5  }
0x99: {  	[tilespmem:$0x6610] =	vst v3  }
0x9a: {  	[tilespmem:$0x6600] =	vst v5  }
0x9b: {  	[hbm4b:s8+s2] =	stream.linear.scatter [tilespmem:s20], [sflag:$0x3], $0x20, $0x38;
	[tilespmem:$0x6680] =	vst v63  }
0x9c: {  	s22 =	sadd.s32 $0x1, s22;
	_ =	swait.ge [sflag:s11], $0x20  }
0x9d: {  	p0 =	sne.s32 s22, s10;
	[sflag:s11] =	ssyncset.done $0x0  }
.Ltmp5:
0x9e: {  	[sflag:s11] =	ssyncadd.s32 $0xFFFFFFE0;
	(pc) =	sbr.rel @p0 .LBB2_1-.Ltmp5, $4  }
0x9f: {  	[hbm4b:s9+s2] =	stream.linear.scatter [tilespmem:s21], [sflag:$0x3], $0x20, $0x38;
	[tilespmem:$0x6680] =	vst v63  }
0xa0: {  	_ =	swait.ge [sflag:s11], $0x20  }
0xa1: {  	[sflag:s11] =	ssyncset.done $0x0  }
0xa2: {  	[sflag:s11] =	ssyncadd.s32 $0xFFFFFFE0  }
0xa3: {  	_ =	sfence.sel $0x180000  }
0xa4: {  	[bflag:$0x0] =	sbarrier.arrive $0xFFFF  }
0xa5: {  	p0 =	sne.s32 s0, $0x0;
	_ =	strace $0x9000004A  }
0xa6: {  	s0 =	sadd.s32 @!p0 $0x100000, s1;
	[bflag:$0x2] =	sbarrier.arrive $0xFFFF  }
0xa7: {  	[sflag:s0] =	ssyncadd.tile.s32 @!p0 $0x1;
	_ =	shalt  }
.Lfunc_end2:
_tile_overlayer_lowered:
.L_overlay_start_2:
0xa8: {  	(tag) =	ssettag $0x2  }
0xa9: {  	s0 =	rddreg [dreg:$0x0];
	s2 =	stileid.u32  }
0xaa: {  	s1 =	rddreg [dreg:$0x1];
	p0 =	sne.s32 s2, $0x0  }
0xab: {  	s3 =	rddreg [dreg:$0x2];
	[bflag:$0x3] =	sbarrier.arrive $0xFFFF;
	s2 =	simm.s32 @!p0 $0x1C03  }
0xac: {  	[timem:s3], [sflag:s2] =	dma.local @!p0 [hbm:s0], s1  }
0xad: {  	s0 =	simm.s32 @!p0 $0x3  }
0xae: {  	_ =	swait.ge @!p0 [sflag:s0], s1  }
0xaf: {  	s1 =	ssub.s32 @!p0 $0x0, s1;
	[sflag:s0] =	ssyncset.done @!p0 $0x0  }
0xb0: {  	[sflag:s0] =	ssyncadd.s32 @!p0 s1  }
0xb1: {  	[bflag:$0x3] =	sbarrier.arrive $0xFFFF  }
0xb2: {  	_ =	shalt  }

// kernel: sparse-core-data-format-call.cloned.1.call-start
scs
called_computation_lowered:
.L_overlay_start_0:
0x0: {  	s2 =	sld [smem:$0x3FD9]  }
0x1: {  	s3 =	sld [smem:$0x3FFE];
	_ =	sdelay $0x1  }
0x2: {  	s1 =	srdreg.scid  }
0x3: {  	s0 =	sand.u32 $0x1, s1  }
0x4: {  	s18 =	sshll.u32 s0, $0xA;
	s2 =	sadd.s32 s3, s2  }
0x5: {  	s2 =	sadd.s32 s2, s18  }
0x6: {  	[smem:$0x3FC5] =	sst s2  }
0x7: {  	_ = 	snop  }
0x8: {  	s2 =	sld [smem:$0x3FC7];
	(tm) =	ssettm $0x1  }
0x9: {  	s19 =	sld [smem:$0x3FFB];
	_ =	sdelay $0x3  }
0xa: {  	_ =	strace s19  }
0xb: {  	s3 =	sld [smem:$0x3FFC];
	_ =	sdelay $0x3  }
0xc: {  	_ =	strace s3  }
0xd: {  	s3 =	sld [smem:$0x3FFD];
	_ =	sdelay $0x3  }
0xe: {  	_ =	strace s3  }
0xf: {  	_ =	strace $0x8FFFFFFF  }
0x10: {  	s20 =	sld [smem:$0x3FDB];
	_ =	sdelay $0x1  }
0x11: {  	s4 =	simm.s32 $_scs_section_size  }
0x12: {  	s5 =	simm.s32 $_size__tile_overlayer_lowered;
	s6 =	simm.s32 $_tile_overlayer_lowered  }
0x13: {  	s23 =	simm.s32 $0x1BFF;
	s22 =	sshll.u32 s6, $0x1;
	s3 =	sadd.s32 s4, s20  }
0x14: {  	s7 =	simm.s32 $0x0;
	s21 =	sshll.u32 s5, $0x1;
	s5 =	sadd.s32 s22, s3  }
0x15: {  	[timem:s7], [sflag:s23] =	dma.local [hbm:s5], s21  }
0x16: {  	_ =	swait.ge [sflag:s23], s21  }
0x17: {  	s4 =	ssub.s32 $0x0, s21;
	[sflag:s23] =	ssyncset.done $0x0  }
0x18: {  	[sflag:s23] =	ssyncadd.s32 s4;
	_ =	sdelay $0x1  }
0x19: {  	s24 =	simm.s32 $0x1B8B  }
0x1a: {  	_ =	swait.ge [sflag:s24], $0x1  }
0x1b: {  	[sflag:s24] =	ssyncset.done $0x0  }
0x1c: {  	s26 =	simm.s32 $0x1B8E;
	s25 =	sld [smem:$0x3FFE];
	[sflag:s24] =	ssyncadd.s32 $0xFFFFFFFF  }
0x1d: {  	s27 =	simm.s32 $execute0_lowered;
	[smem:$0x3FD2] =	sst s26  }
0x1e: {  	s5 =	sshll.u32 s27, $0x1;
	_ =	strace $0x80000046;
	[dreg:$0x1] =	wrdreg $0xFFFFFFFF  }
0x1f: {  	s28 =	simm.s32 $_size_execute0_lowered;
	s3 =	sadd.s32 s3, s5;
	[dreg:$0x0] =	wrdreg $0x0  }
0x20: {  	s5 =	sshll.u32 s28, $0x1;
	[dreg:$0x2] =	wrdreg s3  }
0x21: {  	[dreg:$0x3] =	wrdreg s5  }
0x22: {  	[dreg:$0x4] =	wrdreg $0xC0  }
0x23: {  	_ =	task [dreg:s7], $0x5FFFF  }
0x24: {  	[dreg:$0x1] =	wrdreg $0xFFFFFFFF  }
0x25: {  	[dreg:$0x0] =	wrdreg $0x60  }
0x26: {  	[dreg:$0x2] =	wrdreg s2  }
0x27: {  	[dreg:$0x3] =	wrdreg s25  }
0x28: {  	[dreg:$0x4] =	wrdreg $0x9  }
0x29: {  	_ =	task.clear_ibuf [dreg:s7], $0x5FFFF;
	_ =	strace $0x90000046  }
0x2a: {  	s29 =	simm.s32 $0x9;
	_ =	strace $0x80000048  }
0x2b: {  	_ =	swait.ge [sflag:s29], $0x1  }
0x2c: {  	[sflag:s29] =	ssyncadd.s32 $0xFFFFFFFF  }
0x2d: {  	_ =	strace $0x90000048  }
0x2e: {  	_ =	sfence  }
0x2f: {  	s30 =	sld [smem:$0x0];
	_ =	sdelay $0x2  }
0x30: {  	s31 =	sshll.u32 s1, $0xD;
	s1 =	sshrl.u32 s1, $0x2  }
0x31: {  	s3 =	sand.u32 $0x4000, s31;
	s1 =	sadd.s32 s1, s30  }
0x32: {  	s0 =	sor.u32 s3, s0;
	s1 =	sshll.u32 s1, $0x11  }
0x33: {  	s0 =	sor.u32 s1, s0  }
0x34: {  	s0 =	sadd.s32 $0x8F2B, s0  }
0x35: {  	[sflag:s0] =	ssyncadd.remote.s32 $0x1  }
0x36: {  	_ =	sfence.sel $0xFFFF  }
0x37: {  	[dreg:$0x0] =	wrdreg $0xFFFFFFFF;
	(pc) =	sbr.abs _section_cstart, $3  }
0x38: {  	[dreg:$0x1] =	wrdreg $0xFFFFFFFF  }
0x39: {  	_ =	task.clear_ibuf [dreg:s7], $0x2FFFF;
	_ =	strace $0x9FFFFFFF  }
0x3a: {  	(tm) =	ssettm $0x7FFFFFFF  }
0x3b: {  	_ =	shalt  }
tec
execute0_lowered:
.L_overlay_start_1:
0x0: {  	(tag) =	ssettag $0x1  }
0x1: {  	s2 =	rddreg [dreg:$0x0]  }
0x2: {  	s1 =	rddreg [dreg:$0x1]  }
0x3: {  	s0 =	rddreg [dreg:$0x2];
	_ =	strace $0x80000047;
	s4 =	srdreg.scid  }
0x4: {  	s6 =	simm.s32 $0x2;
	s11 =	simm.s32 $0x0;
	p0 =	por $0x0, $0x0  }
.Ltmp0:
0x5: {  	s7 =	simm.s32 $0x2000;
	s12 =	simm.s32 $0x0;
	(pc) =	sbr.rel .LBB1_1-.Ltmp0, $4  }
0x6: {  	s9 =	simm.s32 $0x0;
	s3 =	sadd.s32 $0x1800, s1;
	s5 =	sshll.u32 s4, $0x4  }
0x7: {  	s1 =	stileid.u32;
	s4 =	simm.s32 $0x1;
	s5 =	sand.u32 $0x10, s5  }
0x8: {  	s8 =	simm.s32 $0x0;
	[sflag:s4] =	ssyncpa.u1 $0x0;
	s5 =	sor.u32 s1, s5  }
0x9: {  	[sflag:s6] =	ssyncpa.u1 $0x0;
	s6 =	simm.s32 $0x800;
	s10 =	smov.u32 s5  }
.LBB1_7:
0xa: {  	s13 =	sadd.s32 $0x10, s9  }
0xb: {  	s11 =	sadd.s32 $0x20, s10;
	s15 =	smov.u32 s10;
	p2 =	sgt.s32 s13, $0x3F  }
0xc: {  	p1 =	slt.u32 s8, $0x2;
	s15 =	smov.u32 @p2 s11  }
0xd: {  	s8 =	sadd.s32 $0x1, s8;
	s13 =	simm.s32 @p2 $0x0;
	p2 =	sgt.s32 s15, $0x7F  }
0xe: {  	s15 =	smov.u32 @p2 s5;
	p2 =	sne.s32 s8, $0x12  }
.Ltmp1:
0xf: {  	_ = 	snop;
	(pc) =	sbr.rel @!p2 .LBB1_8-.Ltmp1, $4  }
0x10: {  	s14 =	simm.s32 @!p1 $0x2  }
0x11: {  	s12 =	smov.u32 s10;
	_ =	swait.ge @!p1 [sflag:s14], $0x4000  }
0x12: {  	p0 =	por !p0, !p0;
	s11 =	smov.u32 s9;
	[sflag:s14] =	ssyncset.done @!p1 $0x0  }
0x13: {  	s9 =	smov.u32 s13;
	[sflag:s14] =	ssyncadd.s32 @!p1 $0xFFFFC000;
	s10 =	smov.u32 s15  }
.LBB1_1:
0x14: {  	p1 =	sgt.u32 s8, $0xF  }
0x15: {  	s13 =	sxor.u32 @!p1 $0xFFFFFFFF, s8;
	s14 =	sshll.u32 @!p1 s10, $0xD  }
0x16: {  	s15 =	sshll.u32 @!p1 s9, $0x7;
	s13 =	sshll.u32 @!p1 s13, $0xE;
	s14 =	sadd.s32 @!p1 s2, s14  }
0x17: {  	s13 =	sand.u32 @!p1 $0x4000, s13;
	s14 =	sadd.s32 @!p1 s15, s14;
	s15 =	simm.s32 @!p1 $0x0  }
0x18: {  	[tilespmem:s13], [sflag:$0x1] =	stream.linear.gather @!p1 [hbm4b:s14+s15], $0x4000, $0x38;
	[tilespmem:$0x10000] =	vst v63  }
0x19: {  	p1 =	seq.s32 s8, $0x0  }
0x1a: {  	p2 =	seq.s32 @!p1 s8, $0x11  }
0x1b: {  	p1 =	por p1, p2  }
.Ltmp2:
0x1c: {  	_ = 	snop;
	(pc) =	sbr.rel @p1 .LBB1_7-.Ltmp2, $1  }
0x1d: {  	_ =	sdelay $0x3  }
0x1e: {  	s13 =	simm.s32 $0x1;
	_ =	swait.ge [sflag:s4], $0x4000;
	s16 =	sshll.u32 s8, $0xE  }
0x1f: {  	s13 =	simm.s32 @!p0 $0x0;
	[sflag:s4] =	ssyncset.done $0x0;
	s31 =	sand.u32 $0x4000, s16  }
0x20: {  	s16 =	simm.s32 $0x0;
	s14 =	sshll.u32 s13, $0xE;
	[sflag:s4] =	ssyncadd.s32 $0xFFFFC000  }
0x21: {  	s13 =	sor.u32 $0x8040, s14;
	s15 =	sor.u32 $0x40, s14;
	s14 =	sor.u32 $0x8000, s31  }
.LBB1_3:
0x22: {  	v0 =	vmov s15;
	_ =	sdelay $0x3  }
0x23: {  	s18 =	simm.s32 $0x0  }
0x24: {  	v6 =	vld.idx.msk [tilespmem:v0+s18+$0x30 ss:$0x1], $0xffff  }
0x25: {  	v7 =	vld.idx.msk [tilespmem:v0+s18+$0xFFFFFFC0 ss:$0x1], $0xffff  }
0x26: {  	v5 =	vld.idx.msk [tilespmem:v0+s18+$0xFFFFFFD0 ss:$0x1], $0xffff  }
0x27: {  	v4 =	vld.idx.msk [tilespmem:v0+s18+$0xFFFFFFE0 ss:$0x1], $0xffff  }
0x28: {  	v3 =	vld.idx.msk [tilespmem:v0+s18+$0xFFFFFFF0 ss:$0x1], $0xffff  }
0x29: {  	v1 =	vld.idx.msk [tilespmem:v0+s18+$0x0 ss:$0x1], $0xffff  }
0x2a: {  	v2 =	vld.idx.msk [tilespmem:v0+s18+$0x10 ss:$0x1], $0xffff;
	[tilespmem:s13+$0x30] =	vst v6  }
0x2b: {  	s17 =	simm.s32 $0x80;
	s19 =	simm.s32 $0x400;
	[tilespmem:s13+$0xFFFFFFC0] =	vst v7;
	v6 =	vld.idx.msk [tilespmem:v0+s18+$0x20 ss:$0x1], $0xffff;
	s18 =	smov.u32 s13  }
.LBB1_4:
0x2c: {  	p1 =	sne.s32 s19, $0xE00;
	v7 =	vld.idx.msk [tilespmem:v0+s17+$0x30 ss:$0x1], $0xffff;
	[tilespmem:s18+$0xFFFFFFD0] =	vst v5  }
0x2d: {  	v8 =	vld.idx.msk [tilespmem:v0+s17+$0xFFFFFFC0 ss:$0x1], $0xffff;
	[tilespmem:s18+$0xFFFFFFE0] =	vst v4  }
0x2e: {  	v5 =	vld.idx.msk [tilespmem:v0+s17+$0xFFFFFFD0 ss:$0x1], $0xffff;
	[tilespmem:s18+$0xFFFFFFF0] =	vst v3  }
.Ltmp3:
0x2f: {  	v4 =	vld.idx.msk [tilespmem:v0+s17+$0xFFFFFFE0 ss:$0x1], $0xffff;
	[tilespmem:s18+$0x0] =	vst v1;
	(pc) =	sbr.rel @p1 .LBB1_4-.Ltmp3, $4  }
0x30: {  	v3 =	vld.idx.msk [tilespmem:v0+s17+$0xFFFFFFF0 ss:$0x1], $0xffff;
	[tilespmem:s18+$0x10] =	vst v2  }
0x31: {  	v1 =	vld.idx.msk [tilespmem:v0+s17+$0x0 ss:$0x1], $0xffff;
	[tilespmem:s18+$0x20] =	vst v6;
	s18 =	sadd.s32 $0x800, s18  }
0x32: {  	v2 =	vld.idx.msk [tilespmem:v0+s17+$0x10 ss:$0x1], $0xffff;
	[tilespmem:s18+$0x30] =	vst v7  }
0x33: {  	[tilespmem:s18+$0xFFFFFFC0] =	vst v8;
	v6 =	vld.idx.msk [tilespmem:v0+s17+$0x20 ss:$0x1], $0xffff;
	s17 =	sshra.s32 s19, $0x2;
	s19 =	sadd.s32 $0x200, s19  }
0x34: {  	_ =	sdelay $0x2  }
0x35: {  	[tilespmem:s18+$0xFFFFFFD0] =	vst v5  }
0x36: {  	v56 =	vld.idx.msk [tilespmem:v0+s17+$0x30 ss:$0x1], $0xffff;
	[tilespmem:s18+$0xFFFFFFE0] =	vst v4  }
0x37: {  	v57 =	vld.idx.msk [tilespmem:v0+s17+$0xFFFFFFC0 ss:$0x1], $0xffff;
	[tilespmem:s18+$0xFFFFFFF0] =	vst v3  }
0x38: {  	v58 =	vld.idx.msk [tilespmem:v0+s17+$0xFFFFFFD0 ss:$0x1], $0xffff;
	[tilespmem:s18+$0x0] =	vst v1  }
0x39: {  	v59 =	vld.idx.msk [tilespmem:v0+s17+$0xFFFFFFE0 ss:$0x1], $0xffff;
	[tilespmem:s18+$0x10] =	vst v2  }
0x3a: {  	v60 =	vld.idx.msk [tilespmem:v0+s17+$0xFFFFFFF0 ss:$0x1], $0xffff;
	s31 =	sadd.s32 $0x800, s18;
	[tilespmem:s18+$0x20] =	vst v6  }
0x3b: {  	v61 =	vld.idx.msk [tilespmem:v0+s17+$0x0 ss:$0x1], $0xffff;
	[tilespmem:s31+$0x30] =	vst v56  }
0x3c: {  	v62 =	vld.idx.msk [tilespmem:v0+s17+$0x10 ss:$0x1], $0xffff;
	s16 =	sadd.s32 $0x1, s16;
	[tilespmem:s31+$0xFFFFFFC0] =	vst v57  }
0x3d: {  	v63 =	vld.idx.msk [tilespmem:v0+s17+$0x20 ss:$0x1], $0xffff;
	p1 =	sne.s32 s16, $0x10;
	[tilespmem:s31+$0xFFFFFFD0] =	vst v58  }
.Ltmp4:
0x3e: {  	[tilespmem:s31+$0xFFFFFFE0] =	vst v59;
	(pc) =	sbr.rel @p1 .LBB1_3-.Ltmp4, $4  }
0x3f: {  	[tilespmem:s31+$0xFFFFFFF0] =	vst v60  }
0x40: {  	[tilespmem:s31+$0x0] =	vst v61  }
0x41: {  	[tilespmem:s31+$0x10] =	vst v62  }
0x42: {  	s13 =	sadd.s32 $0x80, s13;
	s15 =	sadd.s32 $0x400, s15;
	[tilespmem:s31+$0x20] =	vst v63  }
.Ltmp5:
0x43: {  	(pc) =	sbr.rel .LBB1_7-.Ltmp5, $4  }
0x44: {  	s12 =	sshll.u32 s12, $0xD;
	s11 =	sshll.u32 s11, $0x4  }
0x45: {  	s11 =	sand.u32 $0x3F0, s11;
	s12 =	sadd.s32 s3, s12  }
0x46: {  	s11 =	sadd.s32 s11, s12  }
0x47: {  	[hbm4b:s11+s6] =	stream.strided.scatter [tilespmem:s14], [sflag:$0x2], $0x4000, s7, s6, $0x38;
	[tilespmem:$0x10000] =	vst v63  }
.LBB1_8:
0x48: {  	_ =	sfence.sel $0x180000  }
0x49: {  	s2 =	simm.s32 $0x1;
	[bflag:$0x0] =	sbarrier.arrive $0xFFFF  }
0x4a: {  	s31 =	simm.s32 $0x2;
	[sflag:s2] =	ssyncpa.u1 $0x1  }
0x4b: {  	[sflag:s31] =	ssyncpa.u1 $0x1  }
0x4c: {  	p0 =	sne.s32 s1, $0x0;
	_ =	strace $0x90000047  }
0x4d: {  	s0 =	sadd.s32 @!p0 $0x100000, s0;
	[bflag:$0x2] =	sbarrier.arrive $0xFFFF  }
0x4e: {  	[sflag:s0] =	ssyncadd.tile.s32 @!p0 $0x1;
	_ =	shalt  }
.Lfunc_end1:
_tile_overlayer_lowered:
.L_overlay_start_2:
0x4f: {  	(tag) =	ssettag $0x2  }
0x50: {  	s0 =	rddreg [dreg:$0x0];
	s2 =	stileid.u32  }
0x51: {  	s1 =	rddreg [dreg:$0x1];
	p0 =	sne.s32 s2, $0x0  }
0x52: {  	s3 =	rddreg [dreg:$0x2];
	[bflag:$0x3] =	sbarrier.arrive $0xFFFF;
	s2 =	simm.s32 @!p0 $0x1C01  }
0x53: {  	[timem:s3], [sflag:s2] =	dma.local @!p0 [hbm:s0], s1  }
0x54: {  	s0 =	simm.s32 @!p0 $0x1  }
0x55: {  	_ =	swait.ge @!p0 [sflag:s0], s1  }
0x56: {  	s1 =	ssub.s32 @!p0 $0x0, s1;
	[sflag:s0] =	ssyncset.done @!p0 $0x0  }
0x57: {  	[sflag:s0] =	ssyncadd.s32 @!p0 s1  }
0x58: {  	[bflag:$0x3] =	sbarrier.arrive $0xFFFF  }
0x59: {  	_ =	shalt  }

</sc_bundles>
